<compile_context>
chip_gen: v7x
topology: tpu7x:2x2x1
jax: 0.10.2.dev20260603
libtpu: 0.0.44.dev20260713+nightly
codegen_flags: <defaults>
</compile_context>

<pallas_src>
import functools

import jax
import jax.numpy as jnp
from jax import lax
from jax.experimental import pallas as pl
from jax.experimental.pallas import tpu as pltpu
from jax.experimental.pallas import tpu_sc as plsc

_STRIDES = (8, 16, 32, 64, 128)
_LIMITS = ((-1.0, 64.0), (64.0, 128.0), (128.0, 256.0), (256.0, 512.0),
           (512.0, 999999.0))
_IMG = 1024
_B = 4
_M = 64
_HS = tuple(_IMG // s for s in _STRIDES)
_HW = sum(h * h for h in _HS)
_LVL_BASE = tuple(sum(h * h for h in _HS[:i]) for i in range(5))
_NC = 2
_NS = 16
_NW = _NC * _NS
_WPB = _NW // _B
_P = 22016
_BASES = (0, 3280, 6560, 9840, 13120, 16384, 18432, 20480)
_SIZES = (3280, 3280, 3280, 3280, 3264, 2048, 2048, 1536)
_BUF = max(_SIZES)
_SENTINEL = 99999999.0


@functools.cache
def _build_sc_targets():
    mesh = plsc.VectorSubcoreMesh(core_axis_name="c", subcore_axis_name="s")
    return pl.kernel(
        _sc_targets_body,
        mesh=mesh,
        compiler_params=pltpu.CompilerParams(needs_layout_passes=False),
        out_type=[
            jax.ShapeDtypeStruct((_B * _P,), jnp.int32),
            jax.ShapeDtypeStruct((_B * _P,), jnp.float32),
            jax.ShapeDtypeStruct((_B * _P,), jnp.float32),
            jax.ShapeDtypeStruct((_B * _P,), jnp.float32),
            jax.ShapeDtypeStruct((_B * _P,), jnp.float32),
            jax.ShapeDtypeStruct((_B * _P,), jnp.float32),
        ],
        scratch_types=[
            pltpu.VMEM((_M * 5 * 16,), jnp.int32),
            pltpu.VMEM((_BUF,), jnp.float32),
            pltpu.VMEM((_BUF,), jnp.int32),
            pltpu.VMEM((_BUF,), jnp.float32),
            pltpu.VMEM((_BUF,), jnp.float32),
            pltpu.VMEM((_BUF,), jnp.float32),
            pltpu.VMEM((_BUF,), jnp.float32),
            pltpu.SemaphoreType.DMA,
        ],
    )


def _sc_targets_body(packed_h,
                     cls_o, cen_o, l_o, t_o, r_o, b_o,
                     pk_v, area_b, lab_b, l_b, t_b, r_b, b_b, sem):
    w = lax.axis_index("s") * _NC + lax.axis_index("c")
    bat = w // _WPB
    k = w % _WPB
    base = jnp.int32(_BASES[0])
    size = jnp.int32(_SIZES[0])
    for i in range(1, _WPB):
        base = jnp.where(k == i, _BASES[i], base)
        size = jnp.where(k == i, _SIZES[i], size)
    nv = size // 16

    pltpu.sync_copy(packed_h.at[pl.ds(bat * (_M * 5 * 16), _M * 5 * 16)], pk_v)

    sentinel = jnp.full((16,), _SENTINEL, jnp.float32)
    zero = jnp.full((16,), 0.0, jnp.float32)
    one = jnp.full((16,), 1.0, jnp.float32)
    lane = lax.iota(jnp.int32, 16)
    dx = lane & 3
    dy = lane >> 2

    def init_body(i, carry):
        area_b[pl.ds(i * 16, 16)] = sentinel
        return carry

    lax.fori_loop(0, nv, init_body, 0)

    for lv in range(5):
        s = float(_STRIDES[lv])
        inv_s = 1.0 / s
        h = _HS[lv]
        lo = float(_LIMITS[lv][0])
        hi = float(_LIMITS[lv][1])
        rad = 1.5 * s
        lvl_lo = _LVL_BASE[lv]
        lvl_hi = lvl_lo + h * h
        nb = lvl_lo - base

        def box_body(j, carry, inv_s=inv_s, s=s, h=h, lo=lo, hi=hi, rad=rad,
                     nb=nb):
            q = j * 80
            f32 = functools.partial(lax.bitcast_convert_type,
                                    new_dtype=jnp.float32)
            x1 = f32(pk_v[pl.ds(q, 16)])
            y1 = f32(pk_v[pl.ds(q + 16, 16)])
            x2 = f32(pk_v[pl.ds(q + 32, 16)])
            y2 = f32(pk_v[pl.ds(q + 48, 16)])
            labj = pk_v[pl.ds(q + 64, 16)]
            cx = (x1 + x2) * 0.5
            cy = (y1 + y2) * 0.5
            kx = (cx * inv_s - 0.5).astype(jnp.int32) - 1 + dx
            ky = (cy * inv_s - 0.5).astype(jnp.int32) - 1 + dy
            xw = (kx.astype(jnp.float32) + 0.5) * s
            yw = (ky.astype(jnp.float32) + 0.5) * s
            lft = xw - x1
            top = yw - y1
            rgt = x2 - xw
            bot = y2 - yw
            area = (lft + rgt) * (top + bot)
            omin = jnp.minimum(jnp.minimum(lft, top), jnp.minimum(rgt, bot))
            omax = jnp.maximum(jnp.maximum(lft, top), jnp.maximum(rgt, bot))
            cd = jnp.maximum(jnp.abs(xw - cx), jnp.abs(yw - cy))
            m = (omin > zero) & (omax > lo) & (omax <= hi) & (cd < rad)
            ploc = ky * h + kx + nb
            own = m & (ploc >= 0) & (ploc < size)
            idx = jnp.clip(ploc, 0, _BUF - 1)
            cur = plsc.load_gather(area_b, [idx], mask=own)
            upd = own & (area < cur)
            plsc.store_scatter(area_b, [idx], area, mask=upd)
            plsc.store_scatter(l_b, [idx], lft, mask=upd)
            plsc.store_scatter(t_b, [idx], top, mask=upd)
            plsc.store_scatter(r_b, [idx], rgt, mask=upd)
            plsc.store_scatter(b_b, [idx], bot, mask=upd)
            plsc.store_scatter(lab_b, [idx], labj, mask=upd)
            return carry

        @pl.when((lvl_hi > base) & (lvl_lo < base + size))
        def _():
            lax.fori_loop(0, _M, box_body, 0)

    neg1 = jnp.full((16,), -1.0, jnp.float32)
    izero = jnp.full((16,), 0, jnp.int32)
    thresh = jnp.full((16,), 9.0e7, jnp.float32)
    magic = jnp.full((16,), 0x1FBD1DF5, jnp.int32)

    def fin_body(i, carry):
        o = i * 16
        av = area_b[pl.ds(o, 16)]
        bl = l_b[pl.ds(o, 16)]
        bt = t_b[pl.ds(o, 16)]
        br = r_b[pl.ds(o, 16)]
        bb = b_b[pl.ds(o, 16)]
        blab = lab_b[pl.ds(o, 16)]
        posm = av < thresh
        lrmin = jnp.minimum(bl, br)
        lrmax = jnp.maximum(bl, br)
        tbmin = jnp.minimum(bt, bb)
        tbmax = jnp.maximum(bt, bb)
        ratio = lrmin * tbmin / (lrmax * tbmax + 1e-10)
        rs = jnp.where(posm, ratio, one)
        sq = lax.bitcast_convert_type(
            (lax.bitcast_convert_type(rs, jnp.int32) >> 1) + magic,
            jnp.float32)
        sq = (sq + rs / sq) * 0.5
        sq = (sq + rs / sq) * 0.5
        area_b[pl.ds(o, 16)] = jnp.where(posm, sq, neg1)
        lab_b[pl.ds(o, 16)] = jnp.where(posm, blab, izero)
        l_b[pl.ds(o, 16)] = jnp.where(posm, bl, neg1)
        t_b[pl.ds(o, 16)] = jnp.where(posm, bt, neg1)
        r_b[pl.ds(o, 16)] = jnp.where(posm, br, neg1)
        b_b[pl.ds(o, 16)] = jnp.where(posm, bb, neg1)
        return carry

    lax.fori_loop(0, nv, fin_body, 0)

    off = pl.multiple_of(bat * _P + base, 16)
    pairs = ((lab_b, cls_o), (area_b, cen_o), (l_b, l_o),
             (t_b, t_o), (r_b, r_o), (b_b, b_o))
    for sz, cond in ((3280, k < 4), (3264, k == 4),
                     ((2048), (k == 5) | (k == 6)), (1536, k == 7)):
        @pl.when(cond)
        def _(sz=sz):
            handles = [
                pltpu.async_copy(src.at[pl.ds(0, sz)],
                                 dst.at[pl.ds(off, sz)], sem)
                for src, dst in pairs
            ]
            for hd in handles:
                hd.wait()


def kernel(cls_logit_0, center_logit_0, reg_logit_0,
           cls_logit_1, center_logit_1, reg_logit_1,
           cls_logit_2, center_logit_2, reg_logit_2,
           cls_logit_3, center_logit_3, reg_logit_3,
           cls_logit_4, center_logit_4, reg_logit_4,
           gt_box, labels):
    packed = jnp.concatenate([
        lax.bitcast_convert_type(gt_box.astype(jnp.float32), jnp.int32),
        labels.astype(jnp.int32)[..., None],
    ], axis=-1)
    packed_bc = jnp.broadcast_to(packed[..., None], (_B, _M, 5, 16)).reshape(-1)
    cls_f, cen_f, l_f, t_f, r_f, b_f = _build_sc_targets()(packed_bc)
    cls_t = cls_f.reshape(_B, _P)[:, :_HW, None]
    cen_t = cen_f.reshape(_B, _P)[:, :_HW, None]
    reg_t = jnp.stack(
        [a.reshape(_B, _P)[:, :_HW] for a in (l_f, t_f, r_f, b_f)], axis=-1)
    return cls_t, cen_t, reg_t

# --- scband reference (transcript-rebuilt; emitter-appended) ---
"""Pipeline reference for scband-fcosgen-targets-33990371180918 (READ-ONLY COPY).

The authoritative reference and input builder live on the scoring server;
editing this copy changes nothing except your own understanding.
"""

import jax, jax.numpy as jnp
import numpy as np

STRIDES = [8, 16, 32, 64, 128]
LIMIT_RANGE = [[-1, 64], [64, 128], [128, 256], [256, 512], [512, 999999]]
IMG = 1024
B = 4
M = 64
NUM_CLASSES = 80


def _coords(h, w, stride):
    sx = jnp.arange(w, dtype=jnp.float32) * stride + stride // 2
    sy = jnp.arange(h, dtype=jnp.float32) * stride + stride // 2
    ys, xs = jnp.meshgrid(sy, sx, indexing='ij')
    return xs.reshape(-1), ys.reshape(-1)


def _generate_target(cls_logit, gt_box, labels, stride, lim_range, sample_radio_ratio=1.5):
    h, w = cls_logit.shape[2], cls_logit.shape[3]
    x, y = _coords(h, w, stride)
    left = x[None, :, None] - gt_box[..., 0][:, None, :]
    top = y[None, :, None] - gt_box[..., 1][:, None, :]
    right = gt_box[..., 2][:, None, :] - x[None, :, None]
    bottom = gt_box[..., 3][:, None, :] - y[None, :, None]
    offset = jnp.stack([left, top, right, bottom], axis=-1)
    area = (offset[..., 0] + offset[..., 2]) * (offset[..., 1] + offset[..., 3])
    offset_min = jnp.min(offset, axis=-1)
    offset_max = jnp.max(offset, axis=-1)
    mask_gt = offset_min > 0
    mask_lv = (offset_max > lim_range[0]) & (offset_max <= lim_range[1])
    radius = stride * sample_radio_ratio
    cx = (gt_box[..., 0] + gt_box[..., 2]) / 2
    cy = (gt_box[..., 1] + gt_box[..., 3]) / 2
    g_off = jnp.stack([
        x[None, :, None] - cx[:, None, :],
        y[None, :, None] - cy[:, None, :],
        cx[:, None, :] - x[None, :, None],
        cy[:, None, :] - y[None, :, None],
    ], axis=-1)
    mask_center = jnp.max(g_off, axis=-1) < radius
    mask_pos = mask_gt & mask_lv & mask_center
    area_m = jnp.where(mask_pos, area, 99999999.0)
    idx = jnp.argmin(area_m, axis=-1)
    reg_target = jnp.take_along_axis(offset, idx[:, :, None, None], axis=2)[:, :, 0, :]
    lab_b = jnp.broadcast_to(labels[:, None, :], area.shape)
    cls_target = jnp.take_along_axis(lab_b, idx[:, :, None], axis=2)
    lr_min = jnp.minimum(reg_target[..., 0], reg_target[..., 2])
    lr_max = jnp.maximum(reg_target[..., 0], reg_target[..., 2])
    tb_min = jnp.minimum(reg_target[..., 1], reg_target[..., 3])
    tb_max = jnp.maximum(reg_target[..., 1], reg_target[..., 3])
    mask_pos_2 = jnp.sum(mask_pos.astype(jnp.int32), axis=-1) >= 1
    ratio_c = lr_min * tb_min / (lr_max * tb_max + 1e-10)
    ratio_safe = jnp.where(mask_pos_2, ratio_c, 1.0)
    center_target = jnp.sqrt(ratio_safe)[..., None]
    cls_target = jnp.where(mask_pos_2[..., None], cls_target, 0)
    center_target = jnp.where(mask_pos_2[..., None], center_target, -1.0)
    reg_target = jnp.where(mask_pos_2[..., None], reg_target, -1.0)
    return cls_target, center_target, reg_target


def setup_inputs(seed: int = 0):
    key = jax.random.key(seed)
    ks = jax.random.split(key, 8)
    inp = {}
    for i, s in enumerate(STRIDES):
        h = IMG // s
        kk = jax.random.split(jax.random.fold_in(key, 100 + i), 3)
        inp['cls_logit_%d' % i] = jax.random.normal(kk[0], (B, NUM_CLASSES, h, h), dtype=jnp.float32)
        inp['center_logit_%d' % i] = jax.random.normal(kk[1], (B, 1, h, h), dtype=jnp.float32)
        inp['reg_logit_%d' % i] = jax.random.normal(kk[2], (B, 4, h, h), dtype=jnp.float32)
    cx = jax.random.uniform(ks[0], (B, M), minval=64.0, maxval=960.0)
    cy = jax.random.uniform(ks[1], (B, M), minval=64.0, maxval=960.0)
    bw = jax.random.uniform(ks[2], (B, M), minval=24.0, maxval=512.0)
    bh = jax.random.uniform(ks[3], (B, M), minval=24.0, maxval=512.0)
    x1 = jnp.clip(cx - bw / 2, 0.0, 1024.0)
    y1 = jnp.clip(cy - bh / 2, 0.0, 1024.0)
    x2 = jnp.clip(cx + bw / 2, 0.0, 1024.0)
    y2 = jnp.clip(cy + bh / 2, 0.0, 1024.0)
    inp['gt_box'] = jnp.stack([x1, y1, x2, y2], axis=-1)
    inp['labels'] = jax.random.randint(ks[4], (B, M), 1, NUM_CLASSES + 1, dtype=jnp.int32)
    return inp


def reference(cls_logit_0, center_logit_0, reg_logit_0,
              cls_logit_1, center_logit_1, reg_logit_1,
              cls_logit_2, center_logit_2, reg_logit_2,
              cls_logit_3, center_logit_3, reg_logit_3,
              cls_logit_4, center_logit_4, reg_logit_4,
              gt_box, labels):
    cls_list = [cls_logit_0, cls_logit_1, cls_logit_2, cls_logit_3, cls_logit_4]
    cls_t, cnt_t, reg_t = [], [], []
    for lv in range(len(STRIDES)):
        c, ct, r = _generate_target(cls_list[lv], gt_box, labels, STRIDES[lv], LIMIT_RANGE[lv])
        cls_t.append(c)
        cnt_t.append(ct)
        reg_t.append(r)
    return (jnp.concatenate(cls_t, axis=1),
            jnp.concatenate(cnt_t, axis=1),
            jnp.concatenate(reg_t, axis=1))

if __name__ == "__main__":
    import jax
    _d = setup_inputs()
    print(jax.jit(kernel)(*tuple(_d.values())))

</pallas_src>

<mosaic_0001>
#map = affine_map<(d0, d1) -> (0)>
module attributes {stable_mosaic.version = 14 : i64} {
  func.func @_sc_targets_body(%arg0: i32, %arg1: i32, %arg2: memref<20480xi32, #tpu.memory_space<hbm>>, %arg3: memref<88064xi32, #tpu.memory_space<hbm>>, %arg4: memref<88064xf32, #tpu.memory_space<hbm>>, %arg5: memref<88064xf32, #tpu.memory_space<hbm>>, %arg6: memref<88064xf32, #tpu.memory_space<hbm>>, %arg7: memref<88064xf32, #tpu.memory_space<hbm>>, %arg8: memref<88064xf32, #tpu.memory_space<hbm>>, %arg9: memref<5120xi32, #tpu.memory_space<vmem>>, %arg10: memref<3280xf32, #tpu.memory_space<vmem>>, %arg11: memref<3280xi32, #tpu.memory_space<vmem>>, %arg12: memref<3280xf32, #tpu.memory_space<vmem>>, %arg13: memref<3280xf32, #tpu.memory_space<vmem>>, %arg14: memref<3280xf32, #tpu.memory_space<vmem>>, %arg15: memref<3280xf32, #tpu.memory_space<vmem>>, %arg16: memref<!tpu.dma_semaphore, #tpu.memory_space<semaphore_mem>>) attributes {dimension_semantics = [#tpu.dimension_semantics<core_parallel>, #tpu.dimension_semantics<subcore_parallel>], iteration_bounds = array<i64: 2, 16>, scalar_prefetch = 0 : i64, scratch_operands = 8 : i64, tpu.core_type = #tpu.core_type<sc_vector_subcore>, window_params = [{transform_indices = #map}, {transform_indices = #map}, {transform_indices = #map}, {transform_indices = #map}, {transform_indices = #map}, {transform_indices = #map}, {transform_indices = #map}]} {
    %mul3A = arith.constant 2 : i32
    %mul3A_0 = arith.muli %arg1, %mul3A : i32
    %add3A = arith.addi %mul3A_0, %arg0 : i32
    %jit3A = arith.constant 8 : i32
    %div3A = arith.divsi %add3A, %jit3A : i32
    %sign3A = arith.constant 0 : i32
    %sign3A_1 = arith.cmpi sgt, %add3A, %sign3A : i32
    %sign3A_2 = arith.extui %sign3A_1 : i1 to i32
    %sign3A_3 = arith.constant 0 : i32
    %sign3A_4 = arith.cmpi slt, %add3A, %sign3A_3 : i32
    %sign3A_5 = arith.extui %sign3A_4 : i1 to i32
    %sign3A_6 = arith.subi %sign3A_2, %sign3A_5 : i32
    %sign3A_7 = arith.constant 0 : i32
    %sign3A_8 = arith.cmpi sgt, %jit3A, %sign3A_7 : i32
    %sign3A_9 = arith.extui %sign3A_8 : i1 to i32
    %sign3A_10 = arith.constant 0 : i32
    %sign3A_11 = arith.cmpi slt, %jit3A, %sign3A_10 : i32
    %sign3A_12 = arith.extui %sign3A_11 : i1 to i32
    %sign3A_13 = arith.subi %sign3A_9, %sign3A_12 : i32
    %ne3A = arith.cmpi ne, %sign3A_6, %sign3A_13 : i32
    %rem3A = arith.remsi %add3A, %jit3A : i32
    %ne3A_14 = arith.constant 0 : i32
    %ne3A_15 = arith.cmpi ne, %rem3A, %ne3A_14 : i32
    %and3A = arith.andi %ne3A, %ne3A_15 : i1
    %sub3A = arith.constant 1 : i32
    %sub3A_16 = arith.subi %div3A, %sub3A : i32
    %select_n3A = arith.select %and3A, %sub3A_16, %div3A : i32
    %jit3A_17 = arith.constant 8 : i32
    %eq3A = arith.constant 0 : i32
    %eq3A_18 = arith.cmpi eq, %jit3A_17, %eq3A : i32
    %jit3A_19 = arith.constant 1 : i32
    %select_n3A_20 = arith.select %eq3A_18, %jit3A_19, %jit3A_17 : i32
    %rem3A_21 = arith.remsi %add3A, %select_n3A_20 : i32
    %ne3A_22 = arith.constant 0 : i32
    %ne3A_23 = arith.cmpi ne, %rem3A_21, %ne3A_22 : i32
    %lt3A = arith.constant 0 : i32
    %lt3A_24 = arith.cmpi slt, %rem3A_21, %lt3A : i32
    %lt3A_25 = arith.constant 0 : i32
    %lt3A_26 = arith.cmpi slt, %select_n3A_20, %lt3A_25 : i32
    %ne3A_27 = arith.xori %lt3A_24, %lt3A_26 : i1
    %and3A_28 = arith.andi %ne3A_27, %ne3A_23 : i1
    %add3A_29 = arith.addi %rem3A_21, %select_n3A_20 : i32
    %select_n3A_30 = arith.select %and3A_28, %add3A_29, %rem3A_21 : i32
    %eq3A_31 = arith.constant 1 : i32
    %eq3A_32 = arith.cmpi eq, %select_n3A_30, %eq3A_31 : i32
    %jit3A_33 = arith.constant 3280 : i32
    %jit3A_34 = arith.constant 0 : i32
    %select_n3A_35 = arith.select %eq3A_32, %jit3A_33, %jit3A_34 : i32
    %eq3A_36 = arith.constant 1 : i32
    %eq3A_37 = arith.cmpi eq, %select_n3A_30, %eq3A_36 : i32
    %jit3A_38 = arith.constant 3280 : i32
    %jit3A_39 = arith.constant 3280 : i32
    %select_n3A_40 = arith.select %eq3A_37, %jit3A_38, %jit3A_39 : i32
    %eq3A_41 = arith.constant 2 : i32
    %eq3A_42 = arith.cmpi eq, %select_n3A_30, %eq3A_41 : i32
    %jit3A_43 = arith.constant 6560 : i32
    %select_n3A_44 = arith.select %eq3A_42, %jit3A_43, %select_n3A_35 : i32
    %eq3A_45 = arith.constant 2 : i32
    %eq3A_46 = arith.cmpi eq, %select_n3A_30, %eq3A_45 : i32
    %jit3A_47 = arith.constant 3280 : i32
    %select_n3A_48 = arith.select %eq3A_46, %jit3A_47, %select_n3A_40 : i32
    %eq3A_49 = arith.constant 3 : i32
    %eq3A_50 = arith.cmpi eq, %select_n3A_30, %eq3A_49 : i32
    %jit3A_51 = arith.constant 9840 : i32
    %select_n3A_52 = arith.select %eq3A_50, %jit3A_51, %select_n3A_44 : i32
    %eq3A_53 = arith.constant 3 : i32
    %eq3A_54 = arith.cmpi eq, %select_n3A_30, %eq3A_53 : i32
    %jit3A_55 = arith.constant 3280 : i32
    %select_n3A_56 = arith.select %eq3A_54, %jit3A_55, %select_n3A_48 : i32
    %eq3A_57 = arith.constant 4 : i32
    %eq3A_58 = arith.cmpi eq, %select_n3A_30, %eq3A_57 : i32
    %jit3A_59 = arith.constant 13120 : i32
    %select_n3A_60 = arith.select %eq3A_58, %jit3A_59, %select_n3A_52 : i32
    %eq3A_61 = arith.constant 4 : i32
    %eq3A_62 = arith.cmpi eq, %select_n3A_30, %eq3A_61 : i32
    %jit3A_63 = arith.constant 3264 : i32
    %select_n3A_64 = arith.select %eq3A_62, %jit3A_63, %select_n3A_56 : i32
    %eq3A_65 = arith.constant 5 : i32
    %eq3A_66 = arith.cmpi eq, %select_n3A_30, %eq3A_65 : i32
    %jit3A_67 = arith.constant 16384 : i32
    %select_n3A_68 = arith.select %eq3A_66, %jit3A_67, %select_n3A_60 : i32
    %eq3A_69 = arith.constant 5 : i32
    %eq3A_70 = arith.cmpi eq, %select_n3A_30, %eq3A_69 : i32
    %jit3A_71 = arith.constant 2048 : i32
    %select_n3A_72 = arith.select %eq3A_70, %jit3A_71, %select_n3A_64 : i32
    %eq3A_73 = arith.constant 6 : i32
    %eq3A_74 = arith.cmpi eq, %select_n3A_30, %eq3A_73 : i32
    %jit3A_75 = arith.constant 18432 : i32
    %select_n3A_76 = arith.select %eq3A_74, %jit3A_75, %select_n3A_68 : i32
    %eq3A_77 = arith.constant 6 : i32
    %eq3A_78 = arith.cmpi eq, %select_n3A_30, %eq3A_77 : i32
    %jit3A_79 = arith.constant 2048 : i32
    %select_n3A_80 = arith.select %eq3A_78, %jit3A_79, %select_n3A_72 : i32
    %eq3A_81 = arith.constant 7 : i32
    %eq3A_82 = arith.cmpi eq, %select_n3A_30, %eq3A_81 : i32
    %jit3A_83 = arith.constant 20480 : i32
    %select_n3A_84 = arith.select %eq3A_82, %jit3A_83, %select_n3A_76 : i32
    %eq3A_85 = arith.constant 7 : i32
    %eq3A_86 = arith.cmpi eq, %select_n3A_30, %eq3A_85 : i32
    %jit3A_87 = arith.constant 1536 : i32
    %select_n3A_88 = arith.select %eq3A_86, %jit3A_87, %select_n3A_80 : i32
    %jit3A_89 = arith.constant 16 : i32
    %div3A_90 = arith.divsi %select_n3A_88, %jit3A_89 : i32
    %sign3A_91 = arith.constant 0 : i32
    %sign3A_92 = arith.cmpi sgt, %select_n3A_88, %sign3A_91 : i32
    %sign3A_93 = arith.extui %sign3A_92 : i1 to i32
    %sign3A_94 = arith.constant 0 : i32
    %sign3A_95 = arith.cmpi slt, %select_n3A_88, %sign3A_94 : i32
    %sign3A_96 = arith.extui %sign3A_95 : i1 to i32
    %sign3A_97 = arith.subi %sign3A_93, %sign3A_96 : i32
    %sign3A_98 = arith.constant 0 : i32
    %sign3A_99 = arith.cmpi sgt, %jit3A_89, %sign3A_98 : i32
    %sign3A_100 = arith.extui %sign3A_99 : i1 to i32
    %sign3A_101 = arith.constant 0 : i32
    %sign3A_102 = arith.cmpi slt, %jit3A_89, %sign3A_101 : i32
    %sign3A_103 = arith.extui %sign3A_102 : i1 to i32
    %sign3A_104 = arith.subi %sign3A_100, %sign3A_103 : i32
    %ne3A_105 = arith.cmpi ne, %sign3A_97, %sign3A_104 : i32
    %rem3A_106 = arith.remsi %select_n3A_88, %jit3A_89 : i32
    %ne3A_107 = arith.constant 0 : i32
    %ne3A_108 = arith.cmpi ne, %rem3A_106, %ne3A_107 : i32
    %and3A_109 = arith.andi %ne3A_105, %ne3A_108 : i1
    %sub3A_110 = arith.constant 1 : i32
    %sub3A_111 = arith.subi %div3A_90, %sub3A_110 : i32
    %select_n3A_112 = arith.select %and3A_109, %sub3A_111, %div3A_90 : i32
    %mul3A_113 = arith.constant 5120 : i32
    %mul3A_114 = arith.muli %select_n3A, %mul3A_113 : i32
    "tpu.region"() ({
      %run_scoped3A = tpu.sem_alloc : memref<!tpu.dma_semaphore, #tpu.memory_space<semaphore_mem>>
      %dma_start3A = tpu.memref_slice %arg2[%mul3A_114] : memref<20480xi32, #tpu.memory_space<hbm>> -> memref<5120xi32, #tpu.memory_space<hbm>>
      %dma_start3A_229 = tpu.memref_slice %arg2[%mul3A_114] : memref<20480xi32, #tpu.memory_space<hbm>> -> memref<5120xi32, #tpu.memory_space<hbm>>
      tpu.enqueue_dma source(%dma_start3A_229 : memref<5120xi32, #tpu.memory_space<hbm>>) target(%arg9 : memref<5120xi32, #tpu.memory_space<vmem>>) target_semaphore(%run_scoped3A : memref<!tpu.dma_semaphore, #tpu.memory_space<semaphore_mem>>)
      %dma_wait3A = tpu.memref_slice %arg2[%mul3A_114] : memref<20480xi32, #tpu.memory_space<hbm>> -> memref<5120xi32, #tpu.memory_space<hbm>>
      %dma_wait3A_230 = tpu.memref_slice %arg2[%mul3A_114] : memref<20480xi32, #tpu.memory_space<hbm>> -> memref<5120xi32, #tpu.memory_space<hbm>>
      tpu.wait_dma2 semaphore(%run_scoped3A : memref<!tpu.dma_semaphore, #tpu.memory_space<semaphore_mem>>) src(%dma_wait3A_230 : memref<5120xi32, #tpu.memory_space<hbm>>) dst(%arg9 : memref<5120xi32, #tpu.memory_space<vmem>>)
      tpu.yield
    }) : () -> ()
    %broadcast_in_dim3A = arith.constant 1.000000e+08 : f32
    %broadcast_in_dim3A_115 = vector.broadcast %broadcast_in_dim3A : f32 to vector<16xf32>
    %broadcast_in_dim3A_116 = arith.constant 0.000000e+00 : f32
    %broadcast_in_dim3A_117 = vector.broadcast %broadcast_in_dim3A_116 : f32 to vector<16xf32>
    %broadcast_in_dim3A_118 = arith.constant 1.000000e+00 : f32
    %broadcast_in_dim3A_119 = vector.broadcast %broadcast_in_dim3A_118 : f32 to vector<16xf32>
    %iota3A = tpu.iota {dimensions = array<i32: 0>} : vector<16xi32>
    %and3A_120 = arith.constant 3 : i32
    %and3A_121 = vector.broadcast %and3A_120 : i32 to vector<16xi32>
    %and3A_122 = arith.andi %iota3A, %and3A_121 : vector<16xi32>
    %shift_right_arithmetic3A = arith.constant 2 : i32
    %shift_right_arithmetic3A_123 = vector.broadcast %shift_right_arithmetic3A : i32 to vector<16xi32>
    %shift_right_arithmetic3A_124 = arith.shrsi %iota3A, %shift_right_arithmetic3A_123 : vector<16xi32>
    %while3A = arith.constant 0 : i32
    %while3A_125 = arith.constant 0 : i32
    %while3A_126 = arith.subi %select_n3A_112, %while3A_125 : i32
    %while3A_127 = arith.addi %while3A_125, %while3A_126 : i32
    %while3A_128 = arith.constant 1 : i32
    %while3A_129 = arith.divsi %while3A_126, %while3A_128 : i32
    %while3A_130 = arith.muli %while3A_129, %while3A_128 : i32
    %while3A_131 = arith.addi %while3A_125, %while3A_130 : i32
    %while3A_132 = arith.constant 1 : i32
    scf.for %while3A_229 = %while3A_125 to %while3A_131 step %while3A_132  : i32 {
      %mul3A_230 = arith.constant 16 : i32
      %mul3A_231 = arith.muli %while3A_229, %mul3A_230 : i32
      %swap3A = arith.index_cast %mul3A_231 : i32 to index
      %swap3A_232 = tpu.vector_load %arg10[%swap3A] {strides = array<i32>} : memref<3280xf32, #tpu.memory_space<vmem>>, vector<16xf32>,
      tpu.vector_store %arg10[%swap3A], %broadcast_in_dim3A_115 {strides = array<i32>} : memref<3280xf32, #tpu.memory_space<vmem>>, vector<16xf32>,
    }
    %while3A_133 = arith.constant 1 : i32
    scf.for %while3A_229 = %while3A_131 to %while3A_127 step %while3A_133  : i32 {
      %mul3A_230 = arith.constant 16 : i32
      %mul3A_231 = arith.muli %while3A_229, %mul3A_230 : i32
      %swap3A = arith.index_cast %mul3A_231 : i32 to index
      %swap3A_232 = tpu.vector_load %arg10[%swap3A] {strides = array<i32>} : memref<3280xf32, #tpu.memory_space<vmem>>, vector<16xf32>,
      tpu.vector_store %arg10[%swap3A], %broadcast_in_dim3A_115 {strides = array<i32>} : memref<3280xf32, #tpu.memory_space<vmem>>, vector<16xf32>,
    }
    %sub3A_134 = arith.constant 0 : i32
    %sub3A_135 = arith.subi %sub3A_134, %select_n3A_84 : i32
    %lt3A_136 = arith.constant 16384 : i32
    %lt3A_137 = arith.cmpi slt, %select_n3A_84, %lt3A_136 : i32
    %add3A_138 = arith.addi %select_n3A_84, %select_n3A_88 : i32
    %gt3A = arith.constant 0 : i32
    %gt3A_139 = arith.cmpi sgt, %add3A_138, %gt3A : i32
    %and3A_140 = arith.andi %lt3A_137, %gt3A_139 : i1
    %convert_element_type3A = arith.extui %and3A_140 : i1 to i32
    %cond3A = arith.constant 0 : i32
    %cond3A_141 = arith.cmpi ne, %convert_element_type3A, %cond3A : i32
    scf.if %cond3A_141 {
      %scan3A = arith.constant 0 : i32
      %scan3A_229 = arith.constant 0 : i32
      %scan3A_230 = arith.constant 64 : i32
      %scan3A_231 = arith.addi %scan3A_229, %scan3A_230 : i32
      %scan3A_232 = arith.constant 1 : i32
      scf.for %scan3A_234 = %scan3A_229 to %scan3A_231 step %scan3A_232  : i32 {
        %mul3A_235 = arith.constant 80 : i32
        %mul3A_236 = arith.muli %scan3A_234, %mul3A_235 : i32
        %get3A = arith.index_cast %mul3A_236 : i32 to index
        %get3A_237 = tpu.vector_load %arg9[%get3A] {strides = array<i32>} : memref<5120xi32, #tpu.memory_space<vmem>>, vector<16xi32>,
        %bitcast_convert_type3A = tpu.bitcast %get3A_237 : vector<16xi32> -> vector<16xf32>
        %add3A_238 = arith.constant 16 : i32
        %add3A_239 = arith.addi %mul3A_236, %add3A_238 : i32
        %get3A_240 = arith.index_cast %add3A_239 : i32 to index
        %get3A_241 = tpu.vector_load %arg9[%get3A_240] {strides = array<i32>} : memref<5120xi32, #tpu.memory_space<vmem>>, vector<16xi32>,
        %bitcast_convert_type3A_242 = tpu.bitcast %get3A_241 : vector<16xi32> -> vector<16xf32>
        %add3A_243 = arith.constant 32 : i32
        %add3A_244 = arith.addi %mul3A_236, %add3A_243 : i32
        %get3A_245 = arith.index_cast %add3A_244 : i32 to index
        %get3A_246 = tpu.vector_load %arg9[%get3A_245] {strides = array<i32>} : memref<5120xi32, #tpu.memory_space<vmem>>, vector<16xi32>,
        %bitcast_convert_type3A_247 = tpu.bitcast %get3A_246 : vector<16xi32> -> vector<16xf32>
        %add3A_248 = arith.constant 48 : i32
        %add3A_249 = arith.addi %mul3A_236, %add3A_248 : i32
        %get3A_250 = arith.index_cast %add3A_249 : i32 to index
        %get3A_251 = tpu.vector_load %arg9[%get3A_250] {strides = array<i32>} : memref<5120xi32, #tpu.memory_space<vmem>>, vector<16xi32>,
        %bitcast_convert_type3A_252 = tpu.bitcast %get3A_251 : vector<16xi32> -> vector<16xf32>
        %add3A_253 = arith.constant 64 : i32
        %add3A_254 = arith.addi %mul3A_236, %add3A_253 : i32
        %get3A_255 = arith.index_cast %add3A_254 : i32 to index
        %get3A_256 = tpu.vector_load %arg9[%get3A_255] {strides = array<i32>} : memref<5120xi32, #tpu.memory_space<vmem>>, vector<16xi32>,
        %add3A_257 = arith.addf %bitcast_convert_type3A, %bitcast_convert_type3A_247 : vector<16xf32>
        %mul3A_258 = arith.constant 5.000000e-01 : f32
        %mul3A_259 = vector.broadcast %mul3A_258 : f32 to vector<16xf32>
        %mul3A_260 = arith.mulf %add3A_257, %mul3A_259 : vector<16xf32>
        %add3A_261 = arith.addf %bitcast_convert_type3A_242, %bitcast_convert_type3A_252 : vector<16xf32>
        %mul3A_262 = arith.constant 5.000000e-01 : f32
        %mul3A_263 = vector.broadcast %mul3A_262 : f32 to vector<16xf32>
        %mul3A_264 = arith.mulf %add3A_261, %mul3A_263 : vector<16xf32>
        %mul3A_265 = arith.constant 1.250000e-01 : f32
        %mul3A_266 = vector.broadcast %mul3A_265 : f32 to vector<16xf32>
        %mul3A_267 = arith.mulf %mul3A_260, %mul3A_266 : vector<16xf32>
        %sub3A_268 = arith.constant 5.000000e-01 : f32
        %sub3A_269 = vector.broadcast %sub3A_268 : f32 to vector<16xf32>
        %sub3A_270 = arith.subf %mul3A_267, %sub3A_269 : vector<16xf32>
        %convert_element_type3A_271 = arith.fptosi %sub3A_270 : vector<16xf32> to vector<16xi32>
        %sub3A_272 = arith.constant 1 : i32
        %sub3A_273 = vector.broadcast %sub3A_272 : i32 to vector<16xi32>
        %sub3A_274 = arith.subi %convert_element_type3A_271, %sub3A_273 : vector<16xi32>
        %add3A_275 = arith.addi %sub3A_274, %and3A_122 : vector<16xi32>
        %mul3A_276 = arith.constant 1.250000e-01 : f32
        %mul3A_277 = vector.broadcast %mul3A_276 : f32 to vector<16xf32>
        %mul3A_278 = arith.mulf %mul3A_264, %mul3A_277 : vector<16xf32>
        %sub3A_279 = arith.constant 5.000000e-01 : f32
        %sub3A_280 = vector.broadcast %sub3A_279 : f32 to vector<16xf32>
        %sub3A_281 = arith.subf %mul3A_278, %sub3A_280 : vector<16xf32>
        %convert_element_type3A_282 = arith.fptosi %sub3A_281 : vector<16xf32> to vector<16xi32>
        %sub3A_283 = arith.constant 1 : i32
        %sub3A_284 = vector.broadcast %sub3A_283 : i32 to vector<16xi32>
        %sub3A_285 = arith.subi %convert_element_type3A_282, %sub3A_284 : vector<16xi32>
        %add3A_286 = arith.addi %sub3A_285, %shift_right_arithmetic3A_124 : vector<16xi32>
        %convert_element_type3A_287 = arith.sitofp %add3A_275 : vector<16xi32> to vector<16xf32>
        %add3A_288 = arith.constant 5.000000e-01 : f32
        %add3A_289 = vector.broadcast %add3A_288 : f32 to vector<16xf32>
        %add3A_290 = arith.addf %convert_element_type3A_287, %add3A_289 : vector<16xf32>
        %mul3A_291 = arith.constant 8.000000e+00 : f32
        %mul3A_292 = vector.broadcast %mul3A_291 : f32 to vector<16xf32>
        %mul3A_293 = arith.mulf %add3A_290, %mul3A_292 : vector<16xf32>
        %convert_element_type3A_294 = arith.sitofp %add3A_286 : vector<16xi32> to vector<16xf32>
        %add3A_295 = arith.constant 5.000000e-01 : f32
        %add3A_296 = vector.broadcast %add3A_295 : f32 to vector<16xf32>
        %add3A_297 = arith.addf %convert_element_type3A_294, %add3A_296 : vector<16xf32>
        %mul3A_298 = arith.constant 8.000000e+00 : f32
        %mul3A_299 = vector.broadcast %mul3A_298 : f32 to vector<16xf32>
        %mul3A_300 = arith.mulf %add3A_297, %mul3A_299 : vector<16xf32>
        %sub3A_301 = arith.subf %mul3A_293, %bitcast_convert_type3A : vector<16xf32>
        %sub3A_302 = arith.subf %mul3A_300, %bitcast_convert_type3A_242 : vector<16xf32>
        %sub3A_303 = arith.subf %bitcast_convert_type3A_247, %mul3A_293 : vector<16xf32>
        %sub3A_304 = arith.subf %bitcast_convert_type3A_252, %mul3A_300 : vector<16xf32>
        %add3A_305 = arith.addf %sub3A_301, %sub3A_303 : vector<16xf32>
        %add3A_306 = arith.addf %sub3A_302, %sub3A_304 : vector<16xf32>
        %mul3A_307 = arith.mulf %add3A_305, %add3A_306 : vector<16xf32>
        %min3A = arith.minimumf %sub3A_301, %sub3A_302 : vector<16xf32>
        %min3A_308 = arith.minimumf %sub3A_303, %sub3A_304 : vector<16xf32>
        %min3A_309 = arith.minimumf %min3A, %min3A_308 : vector<16xf32>
        %max3A = arith.maximumf %sub3A_301, %sub3A_302 : vector<16xf32>
        %max3A_310 = arith.maximumf %sub3A_303, %sub3A_304 : vector<16xf32>
        %max3A_311 = arith.maximumf %max3A, %max3A_310 : vector<16xf32>
        %sub3A_312 = arith.subf %mul3A_293, %mul3A_260 : vector<16xf32>
        %abs3A = math.absf %sub3A_312 : vector<16xf32>
        %sub3A_313 = arith.subf %mul3A_300, %mul3A_264 : vector<16xf32>
        %abs3A_314 = math.absf %sub3A_313 : vector<16xf32>
        %max3A_315 = arith.maximumf %abs3A, %abs3A_314 : vector<16xf32>
        %gt3A_316 = arith.cmpf ogt, %min3A_309, %broadcast_in_dim3A_117 : vector<16xf32>
        %gt3A_317 = arith.constant -1.000000e+00 : f32
        %gt3A_318 = vector.broadcast %gt3A_317 : f32 to vector<16xf32>
        %gt3A_319 = arith.cmpf ogt, %max3A_311, %gt3A_318 : vector<16xf32>
        %and3A_320 = arith.andi %gt3A_316, %gt3A_319 : vector<16xi1>
        %le3A = arith.constant 6.400000e+01 : f32
        %le3A_321 = vector.broadcast %le3A : f32 to vector<16xf32>
        %le3A_322 = arith.cmpf ole, %max3A_311, %le3A_321 : vector<16xf32>
        %and3A_323 = arith.andi %and3A_320, %le3A_322 : vector<16xi1>
        %lt3A_324 = arith.constant 1.200000e+01 : f32
        %lt3A_325 = vector.broadcast %lt3A_324 : f32 to vector<16xf32>
        %lt3A_326 = arith.cmpf olt, %max3A_315, %lt3A_325 : vector<16xf32>
        %and3A_327 = arith.andi %and3A_323, %lt3A_326 : vector<16xi1>
        %mul3A_328 = arith.constant 128 : i32
        %mul3A_329 = vector.broadcast %mul3A_328 : i32 to vector<16xi32>
        %mul3A_330 = arith.muli %add3A_286, %mul3A_329 : vector<16xi32>
        %add3A_331 = arith.addi %mul3A_330, %add3A_275 : vector<16xi32>
        %add3A_332 = vector.broadcast %sub3A_135 : i32 to vector<16xi32>
        %add3A_333 = arith.addi %add3A_331, %add3A_332 : vector<16xi32>
        %ge3A = arith.constant 0 : i32
        %ge3A_334 = vector.broadcast %ge3A : i32 to vector<16xi32>
        %ge3A_335 = arith.cmpi sge, %add3A_333, %ge3A_334 : vector<16xi32>
        %and3A_336 = arith.andi %and3A_327, %ge3A_335 : vector<16xi1>
        %lt3A_337 = vector.broadcast %select_n3A_88 : i32 to vector<16xi32>
        %lt3A_338 = arith.cmpi slt, %add3A_333, %lt3A_337 : vector<16xi32>
        %and3A_339 = arith.andi %and3A_336, %lt3A_338 : vector<16xi1>
        %jit3A_340 = arith.constant 0 : i32
        %jit3A_341 = arith.constant 3279 : i32
        %max3A_342 = vector.broadcast %jit3A_340 : i32 to vector<16xi32>
        %max3A_343 = arith.maxsi %max3A_342, %add3A_333 : vector<16xi32>
        %min3A_344 = vector.broadcast %jit3A_341 : i32 to vector<16xi32>
        %min3A_345 = arith.minsi %min3A_344, %max3A_343 : vector<16xi32>
        %gather3A = tpu.vector_load_idx %arg10[%min3A_345] masked %and3A_339 : memref<3280xf32, #tpu.memory_space<vmem>>[vector<16xi32>], vector<16xf32>, vector<16xi1>
        %lt3A_346 = arith.cmpf olt, %mul3A_307, %gather3A : vector<16xf32>
        %and3A_347 = arith.andi %and3A_339, %lt3A_346 : vector<16xi1>
        tpu.vector_store_idx %arg10[%min3A_345], %mul3A_307 masked %and3A_347 : memref<3280xf32, #tpu.memory_space<vmem>>[vector<16xi32>], vector<16xf32>, vector<16xi1>
        tpu.vector_store_idx %arg12[%min3A_345], %sub3A_301 masked %and3A_347 : memref<3280xf32, #tpu.memory_space<vmem>>[vector<16xi32>], vector<16xf32>, vector<16xi1>
        tpu.vector_store_idx %arg13[%min3A_345], %sub3A_302 masked %and3A_347 : memref<3280xf32, #tpu.memory_space<vmem>>[vector<16xi32>], vector<16xf32>, vector<16xi1>
        tpu.vector_store_idx %arg14[%min3A_345], %sub3A_303 masked %and3A_347 : memref<3280xf32, #tpu.memory_space<vmem>>[vector<16xi32>], vector<16xf32>, vector<16xi1>
        tpu.vector_store_idx %arg15[%min3A_345], %sub3A_304 masked %and3A_347 : memref<3280xf32, #tpu.memory_space<vmem>>[vector<16xi32>], vector<16xf32>, vector<16xi1>
        tpu.vector_store_idx %arg11[%min3A_345], %get3A_256 masked %and3A_347 : memref<3280xi32, #tpu.memory_space<vmem>>[vector<16xi32>], vector<16xi32>, vector<16xi1>
      }
      %scan3A_233 = arith.constant 64 : i32
    } else {
    }
    %sub3A_142 = arith.constant 16384 : i32
    %sub3A_143 = arith.subi %sub3A_142, %select_n3A_84 : i32
    %lt3A_144 = arith.constant 20480 : i32
    %lt3A_145 = arith.cmpi slt, %select_n3A_84, %lt3A_144 : i32
    %add3A_146 = arith.addi %select_n3A_84, %select_n3A_88 : i32
    %gt3A_147 = arith.constant 16384 : i32
    %gt3A_148 = arith.cmpi sgt, %add3A_146, %gt3A_147 : i32
    %and3A_149 = arith.andi %lt3A_145, %gt3A_148 : i1
    %convert_element_type3A_150 = arith.extui %and3A_149 : i1 to i32
    %cond3A_151 = arith.constant 0 : i32
    %cond3A_152 = arith.cmpi ne, %convert_element_type3A_150, %cond3A_151 : i32
    scf.if %cond3A_152 {
      %scan3A = arith.constant 0 : i32
      %scan3A_229 = arith.constant 0 : i32
      %scan3A_230 = arith.constant 64 : i32
      %scan3A_231 = arith.addi %scan3A_229, %scan3A_230 : i32
      %scan3A_232 = arith.constant 1 : i32
      scf.for %scan3A_234 = %scan3A_229 to %scan3A_231 step %scan3A_232  : i32 {
        %mul3A_235 = arith.constant 80 : i32
        %mul3A_236 = arith.muli %scan3A_234, %mul3A_235 : i32
        %get3A = arith.index_cast %mul3A_236 : i32 to index
        %get3A_237 = tpu.vector_load %arg9[%get3A] {strides = array<i32>} : memref<5120xi32, #tpu.memory_space<vmem>>, vector<16xi32>,
        %bitcast_convert_type3A = tpu.bitcast %get3A_237 : vector<16xi32> -> vector<16xf32>
        %add3A_238 = arith.constant 16 : i32
        %add3A_239 = arith.addi %mul3A_236, %add3A_238 : i32
        %get3A_240 = arith.index_cast %add3A_239 : i32 to index
        %get3A_241 = tpu.vector_load %arg9[%get3A_240] {strides = array<i32>} : memref<5120xi32, #tpu.memory_space<vmem>>, vector<16xi32>,
        %bitcast_convert_type3A_242 = tpu.bitcast %get3A_241 : vector<16xi32> -> vector<16xf32>
        %add3A_243 = arith.constant 32 : i32
        %add3A_244 = arith.addi %mul3A_236, %add3A_243 : i32
        %get3A_245 = arith.index_cast %add3A_244 : i32 to index
        %get3A_246 = tpu.vector_load %arg9[%get3A_245] {strides = array<i32>} : memref<5120xi32, #tpu.memory_space<vmem>>, vector<16xi32>,
        %bitcast_convert_type3A_247 = tpu.bitcast %get3A_246 : vector<16xi32> -> vector<16xf32>
        %add3A_248 = arith.constant 48 : i32
        %add3A_249 = arith.addi %mul3A_236, %add3A_248 : i32
        %get3A_250 = arith.index_cast %add3A_249 : i32 to index
        %get3A_251 = tpu.vector_load %arg9[%get3A_250] {strides = array<i32>} : memref<5120xi32, #tpu.memory_space<vmem>>, vector<16xi32>,
        %bitcast_convert_type3A_252 = tpu.bitcast %get3A_251 : vector<16xi32> -> vector<16xf32>
        %add3A_253 = arith.constant 64 : i32
        %add3A_254 = arith.addi %mul3A_236, %add3A_253 : i32
        %get3A_255 = arith.index_cast %add3A_254 : i32 to index
        %get3A_256 = tpu.vector_load %arg9[%get3A_255] {strides = array<i32>} : memref<5120xi32, #tpu.memory_space<vmem>>, vector<16xi32>,
        %add3A_257 = arith.addf %bitcast_convert_type3A, %bitcast_convert_type3A_247 : vector<16xf32>
        %mul3A_258 = arith.constant 5.000000e-01 : f32
        %mul3A_259 = vector.broadcast %mul3A_258 : f32 to vector<16xf32>
        %mul3A_260 = arith.mulf %add3A_257, %mul3A_259 : vector<16xf32>
        %add3A_261 = arith.addf %bitcast_convert_type3A_242, %bitcast_convert_type3A_252 : vector<16xf32>
        %mul3A_262 = arith.constant 5.000000e-01 : f32
        %mul3A_263 = vector.broadcast %mul3A_262 : f32 to vector<16xf32>
        %mul3A_264 = arith.mulf %add3A_261, %mul3A_263 : vector<16xf32>
        %mul3A_265 = arith.constant 6.250000e-02 : f32
        %mul3A_266 = vector.broadcast %mul3A_265 : f32 to vector<16xf32>
        %mul3A_267 = arith.mulf %mul3A_260, %mul3A_266 : vector<16xf32>
        %sub3A_268 = arith.constant 5.000000e-01 : f32
        %sub3A_269 = vector.broadcast %sub3A_268 : f32 to vector<16xf32>
        %sub3A_270 = arith.subf %mul3A_267, %sub3A_269 : vector<16xf32>
        %convert_element_type3A_271 = arith.fptosi %sub3A_270 : vector<16xf32> to vector<16xi32>
        %sub3A_272 = arith.constant 1 : i32
        %sub3A_273 = vector.broadcast %sub3A_272 : i32 to vector<16xi32>
        %sub3A_274 = arith.subi %convert_element_type3A_271, %sub3A_273 : vector<16xi32>
        %add3A_275 = arith.addi %sub3A_274, %and3A_122 : vector<16xi32>
        %mul3A_276 = arith.constant 6.250000e-02 : f32
        %mul3A_277 = vector.broadcast %mul3A_276 : f32 to vector<16xf32>
        %mul3A_278 = arith.mulf %mul3A_264, %mul3A_277 : vector<16xf32>
        %sub3A_279 = arith.constant 5.000000e-01 : f32
        %sub3A_280 = vector.broadcast %sub3A_279 : f32 to vector<16xf32>
        %sub3A_281 = arith.subf %mul3A_278, %sub3A_280 : vector<16xf32>
        %convert_element_type3A_282 = arith.fptosi %sub3A_281 : vector<16xf32> to vector<16xi32>
        %sub3A_283 = arith.constant 1 : i32
        %sub3A_284 = vector.broadcast %sub3A_283 : i32 to vector<16xi32>
        %sub3A_285 = arith.subi %convert_element_type3A_282, %sub3A_284 : vector<16xi32>
        %add3A_286 = arith.addi %sub3A_285, %shift_right_arithmetic3A_124 : vector<16xi32>
        %convert_element_type3A_287 = arith.sitofp %add3A_275 : vector<16xi32> to vector<16xf32>
        %add3A_288 = arith.constant 5.000000e-01 : f32
        %add3A_289 = vector.broadcast %add3A_288 : f32 to vector<16xf32>
        %add3A_290 = arith.addf %convert_element_type3A_287, %add3A_289 : vector<16xf32>
        %mul3A_291 = arith.constant 1.600000e+01 : f32
        %mul3A_292 = vector.broadcast %mul3A_291 : f32 to vector<16xf32>
        %mul3A_293 = arith.mulf %add3A_290, %mul3A_292 : vector<16xf32>
        %convert_element_type3A_294 = arith.sitofp %add3A_286 : vector<16xi32> to vector<16xf32>
        %add3A_295 = arith.constant 5.000000e-01 : f32
        %add3A_296 = vector.broadcast %add3A_295 : f32 to vector<16xf32>
        %add3A_297 = arith.addf %convert_element_type3A_294, %add3A_296 : vector<16xf32>
        %mul3A_298 = arith.constant 1.600000e+01 : f32
        %mul3A_299 = vector.broadcast %mul3A_298 : f32 to vector<16xf32>
        %mul3A_300 = arith.mulf %add3A_297, %mul3A_299 : vector<16xf32>
        %sub3A_301 = arith.subf %mul3A_293, %bitcast_convert_type3A : vector<16xf32>
        %sub3A_302 = arith.subf %mul3A_300, %bitcast_convert_type3A_242 : vector<16xf32>
        %sub3A_303 = arith.subf %bitcast_convert_type3A_247, %mul3A_293 : vector<16xf32>
        %sub3A_304 = arith.subf %bitcast_convert_type3A_252, %mul3A_300 : vector<16xf32>
        %add3A_305 = arith.addf %sub3A_301, %sub3A_303 : vector<16xf32>
        %add3A_306 = arith.addf %sub3A_302, %sub3A_304 : vector<16xf32>
        %mul3A_307 = arith.mulf %add3A_305, %add3A_306 : vector<16xf32>
        %min3A = arith.minimumf %sub3A_301, %sub3A_302 : vector<16xf32>
        %min3A_308 = arith.minimumf %sub3A_303, %sub3A_304 : vector<16xf32>
        %min3A_309 = arith.minimumf %min3A, %min3A_308 : vector<16xf32>
        %max3A = arith.maximumf %sub3A_301, %sub3A_302 : vector<16xf32>
        %max3A_310 = arith.maximumf %sub3A_303, %sub3A_304 : vector<16xf32>
        %max3A_311 = arith.maximumf %max3A, %max3A_310 : vector<16xf32>
        %sub3A_312 = arith.subf %mul3A_293, %mul3A_260 : vector<16xf32>
        %abs3A = math.absf %sub3A_312 : vector<16xf32>
        %sub3A_313 = arith.subf %mul3A_300, %mul3A_264 : vector<16xf32>
        %abs3A_314 = math.absf %sub3A_313 : vector<16xf32>
        %max3A_315 = arith.maximumf %abs3A, %abs3A_314 : vector<16xf32>
        %gt3A_316 = arith.cmpf ogt, %min3A_309, %broadcast_in_dim3A_117 : vector<16xf32>
        %gt3A_317 = arith.constant 6.400000e+01 : f32
        %gt3A_318 = vector.broadcast %gt3A_317 : f32 to vector<16xf32>
        %gt3A_319 = arith.cmpf ogt, %max3A_311, %gt3A_318 : vector<16xf32>
        %and3A_320 = arith.andi %gt3A_316, %gt3A_319 : vector<16xi1>
        %le3A = arith.constant 1.280000e+02 : f32
        %le3A_321 = vector.broadcast %le3A : f32 to vector<16xf32>
        %le3A_322 = arith.cmpf ole, %max3A_311, %le3A_321 : vector<16xf32>
        %and3A_323 = arith.andi %and3A_320, %le3A_322 : vector<16xi1>
        %lt3A_324 = arith.constant 2.400000e+01 : f32
        %lt3A_325 = vector.broadcast %lt3A_324 : f32 to vector<16xf32>
        %lt3A_326 = arith.cmpf olt, %max3A_315, %lt3A_325 : vector<16xf32>
        %and3A_327 = arith.andi %and3A_323, %lt3A_326 : vector<16xi1>
        %mul3A_328 = arith.constant 64 : i32
        %mul3A_329 = vector.broadcast %mul3A_328 : i32 to vector<16xi32>
        %mul3A_330 = arith.muli %add3A_286, %mul3A_329 : vector<16xi32>
        %add3A_331 = arith.addi %mul3A_330, %add3A_275 : vector<16xi32>
        %add3A_332 = vector.broadcast %sub3A_143 : i32 to vector<16xi32>
        %add3A_333 = arith.addi %add3A_331, %add3A_332 : vector<16xi32>
        %ge3A = arith.constant 0 : i32
        %ge3A_334 = vector.broadcast %ge3A : i32 to vector<16xi32>
        %ge3A_335 = arith.cmpi sge, %add3A_333, %ge3A_334 : vector<16xi32>
        %and3A_336 = arith.andi %and3A_327, %ge3A_335 : vector<16xi1>
        %lt3A_337 = vector.broadcast %select_n3A_88 : i32 to vector<16xi32>
        %lt3A_338 = arith.cmpi slt, %add3A_333, %lt3A_337 : vector<16xi32>
        %and3A_339 = arith.andi %and3A_336, %lt3A_338 : vector<16xi1>
        %jit3A_340 = arith.constant 0 : i32
        %jit3A_341 = arith.constant 3279 : i32
        %max3A_342 = vector.broadcast %jit3A_340 : i32 to vector<16xi32>
        %max3A_343 = arith.maxsi %max3A_342, %add3A_333 : vector<16xi32>
        %min3A_344 = vector.broadcast %jit3A_341 : i32 to vector<16xi32>
        %min3A_345 = arith.minsi %min3A_344, %max3A_343 : vector<16xi32>
        %gather3A = tpu.vector_load_idx %arg10[%min3A_345] masked %and3A_339 : memref<3280xf32, #tpu.memory_space<vmem>>[vector<16xi32>], vector<16xf32>, vector<16xi1>
        %lt3A_346 = arith.cmpf olt, %mul3A_307, %gather3A : vector<16xf32>
        %and3A_347 = arith.andi %and3A_339, %lt3A_346 : vector<16xi1>
        tpu.vector_store_idx %arg10[%min3A_345], %mul3A_307 masked %and3A_347 : memref<3280xf32, #tpu.memory_space<vmem>>[vector<16xi32>], vector<16xf32>, vector<16xi1>
        tpu.vector_store_idx %arg12[%min3A_345], %sub3A_301 masked %and3A_347 : memref<3280xf32, #tpu.memory_space<vmem>>[vector<16xi32>], vector<16xf32>, vector<16xi1>
        tpu.vector_store_idx %arg13[%min3A_345], %sub3A_302 masked %and3A_347 : memref<3280xf32, #tpu.memory_space<vmem>>[vector<16xi32>], vector<16xf32>, vector<16xi1>
        tpu.vector_store_idx %arg14[%min3A_345], %sub3A_303 masked %and3A_347 : memref<3280xf32, #tpu.memory_space<vmem>>[vector<16xi32>], vector<16xf32>, vector<16xi1>
        tpu.vector_store_idx %arg15[%min3A_345], %sub3A_304 masked %and3A_347 : memref<3280xf32, #tpu.memory_space<vmem>>[vector<16xi32>], vector<16xf32>, vector<16xi1>
        tpu.vector_store_idx %arg11[%min3A_345], %get3A_256 masked %and3A_347 : memref<3280xi32, #tpu.memory_space<vmem>>[vector<16xi32>], vector<16xi32>, vector<16xi1>
      }
      %scan3A_233 = arith.constant 64 : i32
    } else {
    }
    %sub3A_153 = arith.constant 20480 : i32
    %sub3A_154 = arith.subi %sub3A_153, %select_n3A_84 : i32
    %lt3A_155 = arith.constant 21504 : i32
    %lt3A_156 = arith.cmpi slt, %select_n3A_84, %lt3A_155 : i32
    %add3A_157 = arith.addi %select_n3A_84, %select_n3A_88 : i32
    %gt3A_158 = arith.constant 20480 : i32
    %gt3A_159 = arith.cmpi sgt, %add3A_157, %gt3A_158 : i32
    %and3A_160 = arith.andi %lt3A_156, %gt3A_159 : i1
    %convert_element_type3A_161 = arith.extui %and3A_160 : i1 to i32
    %cond3A_162 = arith.constant 0 : i32
    %cond3A_163 = arith.cmpi ne, %convert_element_type3A_161, %cond3A_162 : i32
    scf.if %cond3A_163 {
      %scan3A = arith.constant 0 : i32
      %scan3A_229 = arith.constant 0 : i32
      %scan3A_230 = arith.constant 64 : i32
      %scan3A_231 = arith.addi %scan3A_229, %scan3A_230 : i32
      %scan3A_232 = arith.constant 1 : i32
      scf.for %scan3A_234 = %scan3A_229 to %scan3A_231 step %scan3A_232  : i32 {
        %mul3A_235 = arith.constant 80 : i32
        %mul3A_236 = arith.muli %scan3A_234, %mul3A_235 : i32
        %get3A = arith.index_cast %mul3A_236 : i32 to index
        %get3A_237 = tpu.vector_load %arg9[%get3A] {strides = array<i32>} : memref<5120xi32, #tpu.memory_space<vmem>>, vector<16xi32>,
        %bitcast_convert_type3A = tpu.bitcast %get3A_237 : vector<16xi32> -> vector<16xf32>
        %add3A_238 = arith.constant 16 : i32
        %add3A_239 = arith.addi %mul3A_236, %add3A_238 : i32
        %get3A_240 = arith.index_cast %add3A_239 : i32 to index
        %get3A_241 = tpu.vector_load %arg9[%get3A_240] {strides = array<i32>} : memref<5120xi32, #tpu.memory_space<vmem>>, vector<16xi32>,
        %bitcast_convert_type3A_242 = tpu.bitcast %get3A_241 : vector<16xi32> -> vector<16xf32>
        %add3A_243 = arith.constant 32 : i32
        %add3A_244 = arith.addi %mul3A_236, %add3A_243 : i32
        %get3A_245 = arith.index_cast %add3A_244 : i32 to index
        %get3A_246 = tpu.vector_load %arg9[%get3A_245] {strides = array<i32>} : memref<5120xi32, #tpu.memory_space<vmem>>, vector<16xi32>,
        %bitcast_convert_type3A_247 = tpu.bitcast %get3A_246 : vector<16xi32> -> vector<16xf32>
        %add3A_248 = arith.constant 48 : i32
        %add3A_249 = arith.addi %mul3A_236, %add3A_248 : i32
        %get3A_250 = arith.index_cast %add3A_249 : i32 to index
        %get3A_251 = tpu.vector_load %arg9[%get3A_250] {strides = array<i32>} : memref<5120xi32, #tpu.memory_space<vmem>>, vector<16xi32>,
        %bitcast_convert_type3A_252 = tpu.bitcast %get3A_251 : vector<16xi32> -> vector<16xf32>
        %add3A_253 = arith.constant 64 : i32
        %add3A_254 = arith.addi %mul3A_236, %add3A_253 : i32
        %get3A_255 = arith.index_cast %add3A_254 : i32 to index
        %get3A_256 = tpu.vector_load %arg9[%get3A_255] {strides = array<i32>} : memref<5120xi32, #tpu.memory_space<vmem>>, vector<16xi32>,
        %add3A_257 = arith.addf %bitcast_convert_type3A, %bitcast_convert_type3A_247 : vector<16xf32>
        %mul3A_258 = arith.constant 5.000000e-01 : f32
        %mul3A_259 = vector.broadcast %mul3A_258 : f32 to vector<16xf32>
        %mul3A_260 = arith.mulf %add3A_257, %mul3A_259 : vector<16xf32>
        %add3A_261 = arith.addf %bitcast_convert_type3A_242, %bitcast_convert_type3A_252 : vector<16xf32>
        %mul3A_262 = arith.constant 5.000000e-01 : f32
        %mul3A_263 = vector.broadcast %mul3A_262 : f32 to vector<16xf32>
        %mul3A_264 = arith.mulf %add3A_261, %mul3A_263 : vector<16xf32>
        %mul3A_265 = arith.constant 3.125000e-02 : f32
        %mul3A_266 = vector.broadcast %mul3A_265 : f32 to vector<16xf32>
        %mul3A_267 = arith.mulf %mul3A_260, %mul3A_266 : vector<16xf32>
        %sub3A_268 = arith.constant 5.000000e-01 : f32
        %sub3A_269 = vector.broadcast %sub3A_268 : f32 to vector<16xf32>
        %sub3A_270 = arith.subf %mul3A_267, %sub3A_269 : vector<16xf32>
        %convert_element_type3A_271 = arith.fptosi %sub3A_270 : vector<16xf32> to vector<16xi32>
        %sub3A_272 = arith.constant 1 : i32
        %sub3A_273 = vector.broadcast %sub3A_272 : i32 to vector<16xi32>
        %sub3A_274 = arith.subi %convert_element_type3A_271, %sub3A_273 : vector<16xi32>
        %add3A_275 = arith.addi %sub3A_274, %and3A_122 : vector<16xi32>
        %mul3A_276 = arith.constant 3.125000e-02 : f32
        %mul3A_277 = vector.broadcast %mul3A_276 : f32 to vector<16xf32>
        %mul3A_278 = arith.mulf %mul3A_264, %mul3A_277 : vector<16xf32>
        %sub3A_279 = arith.constant 5.000000e-01 : f32
        %sub3A_280 = vector.broadcast %sub3A_279 : f32 to vector<16xf32>
        %sub3A_281 = arith.subf %mul3A_278, %sub3A_280 : vector<16xf32>
        %convert_element_type3A_282 = arith.fptosi %sub3A_281 : vector<16xf32> to vector<16xi32>
        %sub3A_283 = arith.constant 1 : i32
        %sub3A_284 = vector.broadcast %sub3A_283 : i32 to vector<16xi32>
        %sub3A_285 = arith.subi %convert_element_type3A_282, %sub3A_284 : vector<16xi32>
        %add3A_286 = arith.addi %sub3A_285, %shift_right_arithmetic3A_124 : vector<16xi32>
        %convert_element_type3A_287 = arith.sitofp %add3A_275 : vector<16xi32> to vector<16xf32>
        %add3A_288 = arith.constant 5.000000e-01 : f32
        %add3A_289 = vector.broadcast %add3A_288 : f32 to vector<16xf32>
        %add3A_290 = arith.addf %convert_element_type3A_287, %add3A_289 : vector<16xf32>
        %mul3A_291 = arith.constant 3.200000e+01 : f32
        %mul3A_292 = vector.broadcast %mul3A_291 : f32 to vector<16xf32>
        %mul3A_293 = arith.mulf %add3A_290, %mul3A_292 : vector<16xf32>
        %convert_element_type3A_294 = arith.sitofp %add3A_286 : vector<16xi32> to vector<16xf32>
        %add3A_295 = arith.constant 5.000000e-01 : f32
        %add3A_296 = vector.broadcast %add3A_295 : f32 to vector<16xf32>
        %add3A_297 = arith.addf %convert_element_type3A_294, %add3A_296 : vector<16xf32>
        %mul3A_298 = arith.constant 3.200000e+01 : f32
        %mul3A_299 = vector.broadcast %mul3A_298 : f32 to vector<16xf32>
        %mul3A_300 = arith.mulf %add3A_297, %mul3A_299 : vector<16xf32>
        %sub3A_301 = arith.subf %mul3A_293, %bitcast_convert_type3A : vector<16xf32>
        %sub3A_302 = arith.subf %mul3A_300, %bitcast_convert_type3A_242 : vector<16xf32>
        %sub3A_303 = arith.subf %bitcast_convert_type3A_247, %mul3A_293 : vector<16xf32>
        %sub3A_304 = arith.subf %bitcast_convert_type3A_252, %mul3A_300 : vector<16xf32>
        %add3A_305 = arith.addf %sub3A_301, %sub3A_303 : vector<16xf32>
        %add3A_306 = arith.addf %sub3A_302, %sub3A_304 : vector<16xf32>
        %mul3A_307 = arith.mulf %add3A_305, %add3A_306 : vector<16xf32>
        %min3A = arith.minimumf %sub3A_301, %sub3A_302 : vector<16xf32>
        %min3A_308 = arith.minimumf %sub3A_303, %sub3A_304 : vector<16xf32>
        %min3A_309 = arith.minimumf %min3A, %min3A_308 : vector<16xf32>
        %max3A = arith.maximumf %sub3A_301, %sub3A_302 : vector<16xf32>
        %max3A_310 = arith.maximumf %sub3A_303, %sub3A_304 : vector<16xf32>
        %max3A_311 = arith.maximumf %max3A, %max3A_310 : vector<16xf32>
        %sub3A_312 = arith.subf %mul3A_293, %mul3A_260 : vector<16xf32>
        %abs3A = math.absf %sub3A_312 : vector<16xf32>
        %sub3A_313 = arith.subf %mul3A_300, %mul3A_264 : vector<16xf32>
        %abs3A_314 = math.absf %sub3A_313 : vector<16xf32>
        %max3A_315 = arith.maximumf %abs3A, %abs3A_314 : vector<16xf32>
        %gt3A_316 = arith.cmpf ogt, %min3A_309, %broadcast_in_dim3A_117 : vector<16xf32>
        %gt3A_317 = arith.constant 1.280000e+02 : f32
        %gt3A_318 = vector.broadcast %gt3A_317 : f32 to vector<16xf32>
        %gt3A_319 = arith.cmpf ogt, %max3A_311, %gt3A_318 : vector<16xf32>
        %and3A_320 = arith.andi %gt3A_316, %gt3A_319 : vector<16xi1>
        %le3A = arith.constant 2.560000e+02 : f32
        %le3A_321 = vector.broadcast %le3A : f32 to vector<16xf32>
        %le3A_322 = arith.cmpf ole, %max3A_311, %le3A_321 : vector<16xf32>
        %and3A_323 = arith.andi %and3A_320, %le3A_322 : vector<16xi1>
        %lt3A_324 = arith.constant 4.800000e+01 : f32
        %lt3A_325 = vector.broadcast %lt3A_324 : f32 to vector<16xf32>
        %lt3A_326 = arith.cmpf olt, %max3A_315, %lt3A_325 : vector<16xf32>
        %and3A_327 = arith.andi %and3A_323, %lt3A_326 : vector<16xi1>
        %mul3A_328 = arith.constant 32 : i32
        %mul3A_329 = vector.broadcast %mul3A_328 : i32 to vector<16xi32>
        %mul3A_330 = arith.muli %add3A_286, %mul3A_329 : vector<16xi32>
        %add3A_331 = arith.addi %mul3A_330, %add3A_275 : vector<16xi32>
        %add3A_332 = vector.broadcast %sub3A_154 : i32 to vector<16xi32>
        %add3A_333 = arith.addi %add3A_331, %add3A_332 : vector<16xi32>
        %ge3A = arith.constant 0 : i32
        %ge3A_334 = vector.broadcast %ge3A : i32 to vector<16xi32>
        %ge3A_335 = arith.cmpi sge, %add3A_333, %ge3A_334 : vector<16xi32>
        %and3A_336 = arith.andi %and3A_327, %ge3A_335 : vector<16xi1>
        %lt3A_337 = vector.broadcast %select_n3A_88 : i32 to vector<16xi32>
        %lt3A_338 = arith.cmpi slt, %add3A_333, %lt3A_337 : vector<16xi32>
        %and3A_339 = arith.andi %and3A_336, %lt3A_338 : vector<16xi1>
        %jit3A_340 = arith.constant 0 : i32
        %jit3A_341 = arith.constant 3279 : i32
        %max3A_342 = vector.broadcast %jit3A_340 : i32 to vector<16xi32>
        %max3A_343 = arith.maxsi %max3A_342, %add3A_333 : vector<16xi32>
        %min3A_344 = vector.broadcast %jit3A_341 : i32 to vector<16xi32>
        %min3A_345 = arith.minsi %min3A_344, %max3A_343 : vector<16xi32>
        %gather3A = tpu.vector_load_idx %arg10[%min3A_345] masked %and3A_339 : memref<3280xf32, #tpu.memory_space<vmem>>[vector<16xi32>], vector<16xf32>, vector<16xi1>
        %lt3A_346 = arith.cmpf olt, %mul3A_307, %gather3A : vector<16xf32>
        %and3A_347 = arith.andi %and3A_339, %lt3A_346 : vector<16xi1>
        tpu.vector_store_idx %arg10[%min3A_345], %mul3A_307 masked %and3A_347 : memref<3280xf32, #tpu.memory_space<vmem>>[vector<16xi32>], vector<16xf32>, vector<16xi1>
        tpu.vector_store_idx %arg12[%min3A_345], %sub3A_301 masked %and3A_347 : memref<3280xf32, #tpu.memory_space<vmem>>[vector<16xi32>], vector<16xf32>, vector<16xi1>
        tpu.vector_store_idx %arg13[%min3A_345], %sub3A_302 masked %and3A_347 : memref<3280xf32, #tpu.memory_space<vmem>>[vector<16xi32>], vector<16xf32>, vector<16xi1>
        tpu.vector_store_idx %arg14[%min3A_345], %sub3A_303 masked %and3A_347 : memref<3280xf32, #tpu.memory_space<vmem>>[vector<16xi32>], vector<16xf32>, vector<16xi1>
        tpu.vector_store_idx %arg15[%min3A_345], %sub3A_304 masked %and3A_347 : memref<3280xf32, #tpu.memory_space<vmem>>[vector<16xi32>], vector<16xf32>, vector<16xi1>
        tpu.vector_store_idx %arg11[%min3A_345], %get3A_256 masked %and3A_347 : memref<3280xi32, #tpu.memory_space<vmem>>[vector<16xi32>], vector<16xi32>, vector<16xi1>
      }
      %scan3A_233 = arith.constant 64 : i32
    } else {
    }
    %sub3A_164 = arith.constant 21504 : i32
    %sub3A_165 = arith.subi %sub3A_164, %select_n3A_84 : i32
    %lt3A_166 = arith.constant 21760 : i32
    %lt3A_167 = arith.cmpi slt, %select_n3A_84, %lt3A_166 : i32
    %add3A_168 = arith.addi %select_n3A_84, %select_n3A_88 : i32
    %gt3A_169 = arith.constant 21504 : i32
    %gt3A_170 = arith.cmpi sgt, %add3A_168, %gt3A_169 : i32
    %and3A_171 = arith.andi %lt3A_167, %gt3A_170 : i1
    %convert_element_type3A_172 = arith.extui %and3A_171 : i1 to i32
    %cond3A_173 = arith.constant 0 : i32
    %cond3A_174 = arith.cmpi ne, %convert_element_type3A_172, %cond3A_173 : i32
    scf.if %cond3A_174 {
      %scan3A = arith.constant 0 : i32
      %scan3A_229 = arith.constant 0 : i32
      %scan3A_230 = arith.constant 64 : i32
      %scan3A_231 = arith.addi %scan3A_229, %scan3A_230 : i32
      %scan3A_232 = arith.constant 1 : i32
      scf.for %scan3A_234 = %scan3A_229 to %scan3A_231 step %scan3A_232  : i32 {
        %mul3A_235 = arith.constant 80 : i32
        %mul3A_236 = arith.muli %scan3A_234, %mul3A_235 : i32
        %get3A = arith.index_cast %mul3A_236 : i32 to index
        %get3A_237 = tpu.vector_load %arg9[%get3A] {strides = array<i32>} : memref<5120xi32, #tpu.memory_space<vmem>>, vector<16xi32>,
        %bitcast_convert_type3A = tpu.bitcast %get3A_237 : vector<16xi32> -> vector<16xf32>
        %add3A_238 = arith.constant 16 : i32
        %add3A_239 = arith.addi %mul3A_236, %add3A_238 : i32
        %get3A_240 = arith.index_cast %add3A_239 : i32 to index
        %get3A_241 = tpu.vector_load %arg9[%get3A_240] {strides = array<i32>} : memref<5120xi32, #tpu.memory_space<vmem>>, vector<16xi32>,
        %bitcast_convert_type3A_242 = tpu.bitcast %get3A_241 : vector<16xi32> -> vector<16xf32>
        %add3A_243 = arith.constant 32 : i32
        %add3A_244 = arith.addi %mul3A_236, %add3A_243 : i32
        %get3A_245 = arith.index_cast %add3A_244 : i32 to index
        %get3A_246 = tpu.vector_load %arg9[%get3A_245] {strides = array<i32>} : memref<5120xi32, #tpu.memory_space<vmem>>, vector<16xi32>,
        %bitcast_convert_type3A_247 = tpu.bitcast %get3A_246 : vector<16xi32> -> vector<16xf32>
        %add3A_248 = arith.constant 48 : i32
        %add3A_249 = arith.addi %mul3A_236, %add3A_248 : i32
        %get3A_250 = arith.index_cast %add3A_249 : i32 to index
        %get3A_251 = tpu.vector_load %arg9[%get3A_250] {strides = array<i32>} : memref<5120xi32, #tpu.memory_space<vmem>>, vector<16xi32>,
        %bitcast_convert_type3A_252 = tpu.bitcast %get3A_251 : vector<16xi32> -> vector<16xf32>
        %add3A_253 = arith.constant 64 : i32
        %add3A_254 = arith.addi %mul3A_236, %add3A_253 : i32
        %get3A_255 = arith.index_cast %add3A_254 : i32 to index
        %get3A_256 = tpu.vector_load %arg9[%get3A_255] {strides = array<i32>} : memref<5120xi32, #tpu.memory_space<vmem>>, vector<16xi32>,
        %add3A_257 = arith.addf %bitcast_convert_type3A, %bitcast_convert_type3A_247 : vector<16xf32>
        %mul3A_258 = arith.constant 5.000000e-01 : f32
        %mul3A_259 = vector.broadcast %mul3A_258 : f32 to vector<16xf32>
        %mul3A_260 = arith.mulf %add3A_257, %mul3A_259 : vector<16xf32>
        %add3A_261 = arith.addf %bitcast_convert_type3A_242, %bitcast_convert_type3A_252 : vector<16xf32>
        %mul3A_262 = arith.constant 5.000000e-01 : f32
        %mul3A_263 = vector.broadcast %mul3A_262 : f32 to vector<16xf32>
        %mul3A_264 = arith.mulf %add3A_261, %mul3A_263 : vector<16xf32>
        %mul3A_265 = arith.constant 1.562500e-02 : f32
        %mul3A_266 = vector.broadcast %mul3A_265 : f32 to vector<16xf32>
        %mul3A_267 = arith.mulf %mul3A_260, %mul3A_266 : vector<16xf32>
        %sub3A_268 = arith.constant 5.000000e-01 : f32
        %sub3A_269 = vector.broadcast %sub3A_268 : f32 to vector<16xf32>
        %sub3A_270 = arith.subf %mul3A_267, %sub3A_269 : vector<16xf32>
        %convert_element_type3A_271 = arith.fptosi %sub3A_270 : vector<16xf32> to vector<16xi32>
        %sub3A_272 = arith.constant 1 : i32
        %sub3A_273 = vector.broadcast %sub3A_272 : i32 to vector<16xi32>
        %sub3A_274 = arith.subi %convert_element_type3A_271, %sub3A_273 : vector<16xi32>
        %add3A_275 = arith.addi %sub3A_274, %and3A_122 : vector<16xi32>
        %mul3A_276 = arith.constant 1.562500e-02 : f32
        %mul3A_277 = vector.broadcast %mul3A_276 : f32 to vector<16xf32>
        %mul3A_278 = arith.mulf %mul3A_264, %mul3A_277 : vector<16xf32>
        %sub3A_279 = arith.constant 5.000000e-01 : f32
        %sub3A_280 = vector.broadcast %sub3A_279 : f32 to vector<16xf32>
        %sub3A_281 = arith.subf %mul3A_278, %sub3A_280 : vector<16xf32>
        %convert_element_type3A_282 = arith.fptosi %sub3A_281 : vector<16xf32> to vector<16xi32>
        %sub3A_283 = arith.constant 1 : i32
        %sub3A_284 = vector.broadcast %sub3A_283 : i32 to vector<16xi32>
        %sub3A_285 = arith.subi %convert_element_type3A_282, %sub3A_284 : vector<16xi32>
        %add3A_286 = arith.addi %sub3A_285, %shift_right_arithmetic3A_124 : vector<16xi32>
        %convert_element_type3A_287 = arith.sitofp %add3A_275 : vector<16xi32> to vector<16xf32>
        %add3A_288 = arith.constant 5.000000e-01 : f32
        %add3A_289 = vector.broadcast %add3A_288 : f32 to vector<16xf32>
        %add3A_290 = arith.addf %convert_element_type3A_287, %add3A_289 : vector<16xf32>
        %mul3A_291 = arith.constant 6.400000e+01 : f32
        %mul3A_292 = vector.broadcast %mul3A_291 : f32 to vector<16xf32>
        %mul3A_293 = arith.mulf %add3A_290, %mul3A_292 : vector<16xf32>
        %convert_element_type3A_294 = arith.sitofp %add3A_286 : vector<16xi32> to vector<16xf32>
        %add3A_295 = arith.constant 5.000000e-01 : f32
        %add3A_296 = vector.broadcast %add3A_295 : f32 to vector<16xf32>
        %add3A_297 = arith.addf %convert_element_type3A_294, %add3A_296 : vector<16xf32>
        %mul3A_298 = arith.constant 6.400000e+01 : f32
        %mul3A_299 = vector.broadcast %mul3A_298 : f32 to vector<16xf32>
        %mul3A_300 = arith.mulf %add3A_297, %mul3A_299 : vector<16xf32>
        %sub3A_301 = arith.subf %mul3A_293, %bitcast_convert_type3A : vector<16xf32>
        %sub3A_302 = arith.subf %mul3A_300, %bitcast_convert_type3A_242 : vector<16xf32>
        %sub3A_303 = arith.subf %bitcast_convert_type3A_247, %mul3A_293 : vector<16xf32>
        %sub3A_304 = arith.subf %bitcast_convert_type3A_252, %mul3A_300 : vector<16xf32>
        %add3A_305 = arith.addf %sub3A_301, %sub3A_303 : vector<16xf32>
        %add3A_306 = arith.addf %sub3A_302, %sub3A_304 : vector<16xf32>
        %mul3A_307 = arith.mulf %add3A_305, %add3A_306 : vector<16xf32>
        %min3A = arith.minimumf %sub3A_301, %sub3A_302 : vector<16xf32>
        %min3A_308 = arith.minimumf %sub3A_303, %sub3A_304 : vector<16xf32>
        %min3A_309 = arith.minimumf %min3A, %min3A_308 : vector<16xf32>
        %max3A = arith.maximumf %sub3A_301, %sub3A_302 : vector<16xf32>
        %max3A_310 = arith.maximumf %sub3A_303, %sub3A_304 : vector<16xf32>
        %max3A_311 = arith.maximumf %max3A, %max3A_310 : vector<16xf32>
        %sub3A_312 = arith.subf %mul3A_293, %mul3A_260 : vector<16xf32>
        %abs3A = math.absf %sub3A_312 : vector<16xf32>
        %sub3A_313 = arith.subf %mul3A_300, %mul3A_264 : vector<16xf32>
        %abs3A_314 = math.absf %sub3A_313 : vector<16xf32>
        %max3A_315 = arith.maximumf %abs3A, %abs3A_314 : vector<16xf32>
        %gt3A_316 = arith.cmpf ogt, %min3A_309, %broadcast_in_dim3A_117 : vector<16xf32>
        %gt3A_317 = arith.constant 2.560000e+02 : f32
        %gt3A_318 = vector.broadcast %gt3A_317 : f32 to vector<16xf32>
        %gt3A_319 = arith.cmpf ogt, %max3A_311, %gt3A_318 : vector<16xf32>
        %and3A_320 = arith.andi %gt3A_316, %gt3A_319 : vector<16xi1>
        %le3A = arith.constant 5.120000e+02 : f32
        %le3A_321 = vector.broadcast %le3A : f32 to vector<16xf32>
        %le3A_322 = arith.cmpf ole, %max3A_311, %le3A_321 : vector<16xf32>
        %and3A_323 = arith.andi %and3A_320, %le3A_322 : vector<16xi1>
        %lt3A_324 = arith.constant 9.600000e+01 : f32
        %lt3A_325 = vector.broadcast %lt3A_324 : f32 to vector<16xf32>
        %lt3A_326 = arith.cmpf olt, %max3A_315, %lt3A_325 : vector<16xf32>
        %and3A_327 = arith.andi %and3A_323, %lt3A_326 : vector<16xi1>
        %mul3A_328 = arith.constant 16 : i32
        %mul3A_329 = vector.broadcast %mul3A_328 : i32 to vector<16xi32>
        %mul3A_330 = arith.muli %add3A_286, %mul3A_329 : vector<16xi32>
        %add3A_331 = arith.addi %mul3A_330, %add3A_275 : vector<16xi32>
        %add3A_332 = vector.broadcast %sub3A_165 : i32 to vector<16xi32>
        %add3A_333 = arith.addi %add3A_331, %add3A_332 : vector<16xi32>
        %ge3A = arith.constant 0 : i32
        %ge3A_334 = vector.broadcast %ge3A : i32 to vector<16xi32>
        %ge3A_335 = arith.cmpi sge, %add3A_333, %ge3A_334 : vector<16xi32>
        %and3A_336 = arith.andi %and3A_327, %ge3A_335 : vector<16xi1>
        %lt3A_337 = vector.broadcast %select_n3A_88 : i32 to vector<16xi32>
        %lt3A_338 = arith.cmpi slt, %add3A_333, %lt3A_337 : vector<16xi32>
        %and3A_339 = arith.andi %and3A_336, %lt3A_338 : vector<16xi1>
        %jit3A_340 = arith.constant 0 : i32
        %jit3A_341 = arith.constant 3279 : i32
        %max3A_342 = vector.broadcast %jit3A_340 : i32 to vector<16xi32>
        %max3A_343 = arith.maxsi %max3A_342, %add3A_333 : vector<16xi32>
        %min3A_344 = vector.broadcast %jit3A_341 : i32 to vector<16xi32>
        %min3A_345 = arith.minsi %min3A_344, %max3A_343 : vector<16xi32>
        %gather3A = tpu.vector_load_idx %arg10[%min3A_345] masked %and3A_339 : memref<3280xf32, #tpu.memory_space<vmem>>[vector<16xi32>], vector<16xf32>, vector<16xi1>
        %lt3A_346 = arith.cmpf olt, %mul3A_307, %gather3A : vector<16xf32>
        %and3A_347 = arith.andi %and3A_339, %lt3A_346 : vector<16xi1>
        tpu.vector_store_idx %arg10[%min3A_345], %mul3A_307 masked %and3A_347 : memref<3280xf32, #tpu.memory_space<vmem>>[vector<16xi32>], vector<16xf32>, vector<16xi1>
        tpu.vector_store_idx %arg12[%min3A_345], %sub3A_301 masked %and3A_347 : memref<3280xf32, #tpu.memory_space<vmem>>[vector<16xi32>], vector<16xf32>, vector<16xi1>
        tpu.vector_store_idx %arg13[%min3A_345], %sub3A_302 masked %and3A_347 : memref<3280xf32, #tpu.memory_space<vmem>>[vector<16xi32>], vector<16xf32>, vector<16xi1>
        tpu.vector_store_idx %arg14[%min3A_345], %sub3A_303 masked %and3A_347 : memref<3280xf32, #tpu.memory_space<vmem>>[vector<16xi32>], vector<16xf32>, vector<16xi1>
        tpu.vector_store_idx %arg15[%min3A_345], %sub3A_304 masked %and3A_347 : memref<3280xf32, #tpu.memory_space<vmem>>[vector<16xi32>], vector<16xf32>, vector<16xi1>
        tpu.vector_store_idx %arg11[%min3A_345], %get3A_256 masked %and3A_347 : memref<3280xi32, #tpu.memory_space<vmem>>[vector<16xi32>], vector<16xi32>, vector<16xi1>
      }
      %scan3A_233 = arith.constant 64 : i32
    } else {
    }
    %sub3A_175 = arith.constant 21760 : i32
    %sub3A_176 = arith.subi %sub3A_175, %select_n3A_84 : i32
    %lt3A_177 = arith.constant 21824 : i32
    %lt3A_178 = arith.cmpi slt, %select_n3A_84, %lt3A_177 : i32
    %add3A_179 = arith.addi %select_n3A_84, %select_n3A_88 : i32
    %gt3A_180 = arith.constant 21760 : i32
    %gt3A_181 = arith.cmpi sgt, %add3A_179, %gt3A_180 : i32
    %and3A_182 = arith.andi %lt3A_178, %gt3A_181 : i1
    %convert_element_type3A_183 = arith.extui %and3A_182 : i1 to i32
    %cond3A_184 = arith.constant 0 : i32
    %cond3A_185 = arith.cmpi ne, %convert_element_type3A_183, %cond3A_184 : i32
    scf.if %cond3A_185 {
      %scan3A = arith.constant 0 : i32
      %scan3A_229 = arith.constant 0 : i32
      %scan3A_230 = arith.constant 64 : i32
      %scan3A_231 = arith.addi %scan3A_229, %scan3A_230 : i32
      %scan3A_232 = arith.constant 1 : i32
      scf.for %scan3A_234 = %scan3A_229 to %scan3A_231 step %scan3A_232  : i32 {
        %mul3A_235 = arith.constant 80 : i32
        %mul3A_236 = arith.muli %scan3A_234, %mul3A_235 : i32
        %get3A = arith.index_cast %mul3A_236 : i32 to index
        %get3A_237 = tpu.vector_load %arg9[%get3A] {strides = array<i32>} : memref<5120xi32, #tpu.memory_space<vmem>>, vector<16xi32>,
        %bitcast_convert_type3A = tpu.bitcast %get3A_237 : vector<16xi32> -> vector<16xf32>
        %add3A_238 = arith.constant 16 : i32
        %add3A_239 = arith.addi %mul3A_236, %add3A_238 : i32
        %get3A_240 = arith.index_cast %add3A_239 : i32 to index
        %get3A_241 = tpu.vector_load %arg9[%get3A_240] {strides = array<i32>} : memref<5120xi32, #tpu.memory_space<vmem>>, vector<16xi32>,
        %bitcast_convert_type3A_242 = tpu.bitcast %get3A_241 : vector<16xi32> -> vector<16xf32>
        %add3A_243 = arith.constant 32 : i32
        %add3A_244 = arith.addi %mul3A_236, %add3A_243 : i32
        %get3A_245 = arith.index_cast %add3A_244 : i32 to index
        %get3A_246 = tpu.vector_load %arg9[%get3A_245] {strides = array<i32>} : memref<5120xi32, #tpu.memory_space<vmem>>, vector<16xi32>,
        %bitcast_convert_type3A_247 = tpu.bitcast %get3A_246 : vector<16xi32> -> vector<16xf32>
        %add3A_248 = arith.constant 48 : i32
        %add3A_249 = arith.addi %mul3A_236, %add3A_248 : i32
        %get3A_250 = arith.index_cast %add3A_249 : i32 to index
        %get3A_251 = tpu.vector_load %arg9[%get3A_250] {strides = array<i32>} : memref<5120xi32, #tpu.memory_space<vmem>>, vector<16xi32>,
        %bitcast_convert_type3A_252 = tpu.bitcast %get3A_251 : vector<16xi32> -> vector<16xf32>
        %add3A_253 = arith.constant 64 : i32
        %add3A_254 = arith.addi %mul3A_236, %add3A_253 : i32
        %get3A_255 = arith.index_cast %add3A_254 : i32 to index
        %get3A_256 = tpu.vector_load %arg9[%get3A_255] {strides = array<i32>} : memref<5120xi32, #tpu.memory_space<vmem>>, vector<16xi32>,
        %add3A_257 = arith.addf %bitcast_convert_type3A, %bitcast_convert_type3A_247 : vector<16xf32>
        %mul3A_258 = arith.constant 5.000000e-01 : f32
        %mul3A_259 = vector.broadcast %mul3A_258 : f32 to vector<16xf32>
        %mul3A_260 = arith.mulf %add3A_257, %mul3A_259 : vector<16xf32>
        %add3A_261 = arith.addf %bitcast_convert_type3A_242, %bitcast_convert_type3A_252 : vector<16xf32>
        %mul3A_262 = arith.constant 5.000000e-01 : f32
        %mul3A_263 = vector.broadcast %mul3A_262 : f32 to vector<16xf32>
        %mul3A_264 = arith.mulf %add3A_261, %mul3A_263 : vector<16xf32>
        %mul3A_265 = arith.constant 7.812500e-03 : f32
        %mul3A_266 = vector.broadcast %mul3A_265 : f32 to vector<16xf32>
        %mul3A_267 = arith.mulf %mul3A_260, %mul3A_266 : vector<16xf32>
        %sub3A_268 = arith.constant 5.000000e-01 : f32
        %sub3A_269 = vector.broadcast %sub3A_268 : f32 to vector<16xf32>
        %sub3A_270 = arith.subf %mul3A_267, %sub3A_269 : vector<16xf32>
        %convert_element_type3A_271 = arith.fptosi %sub3A_270 : vector<16xf32> to vector<16xi32>
        %sub3A_272 = arith.constant 1 : i32
        %sub3A_273 = vector.broadcast %sub3A_272 : i32 to vector<16xi32>
        %sub3A_274 = arith.subi %convert_element_type3A_271, %sub3A_273 : vector<16xi32>
        %add3A_275 = arith.addi %sub3A_274, %and3A_122 : vector<16xi32>
        %mul3A_276 = arith.constant 7.812500e-03 : f32
        %mul3A_277 = vector.broadcast %mul3A_276 : f32 to vector<16xf32>
        %mul3A_278 = arith.mulf %mul3A_264, %mul3A_277 : vector<16xf32>
        %sub3A_279 = arith.constant 5.000000e-01 : f32
        %sub3A_280 = vector.broadcast %sub3A_279 : f32 to vector<16xf32>
        %sub3A_281 = arith.subf %mul3A_278, %sub3A_280 : vector<16xf32>
        %convert_element_type3A_282 = arith.fptosi %sub3A_281 : vector<16xf32> to vector<16xi32>
        %sub3A_283 = arith.constant 1 : i32
        %sub3A_284 = vector.broadcast %sub3A_283 : i32 to vector<16xi32>
        %sub3A_285 = arith.subi %convert_element_type3A_282, %sub3A_284 : vector<16xi32>
        %add3A_286 = arith.addi %sub3A_285, %shift_right_arithmetic3A_124 : vector<16xi32>
        %convert_element_type3A_287 = arith.sitofp %add3A_275 : vector<16xi32> to vector<16xf32>
        %add3A_288 = arith.constant 5.000000e-01 : f32
        %add3A_289 = vector.broadcast %add3A_288 : f32 to vector<16xf32>
        %add3A_290 = arith.addf %convert_element_type3A_287, %add3A_289 : vector<16xf32>
        %mul3A_291 = arith.constant 1.280000e+02 : f32
        %mul3A_292 = vector.broadcast %mul3A_291 : f32 to vector<16xf32>
        %mul3A_293 = arith.mulf %add3A_290, %mul3A_292 : vector<16xf32>
        %convert_element_type3A_294 = arith.sitofp %add3A_286 : vector<16xi32> to vector<16xf32>
        %add3A_295 = arith.constant 5.000000e-01 : f32
        %add3A_296 = vector.broadcast %add3A_295 : f32 to vector<16xf32>
        %add3A_297 = arith.addf %convert_element_type3A_294, %add3A_296 : vector<16xf32>
        %mul3A_298 = arith.constant 1.280000e+02 : f32
        %mul3A_299 = vector.broadcast %mul3A_298 : f32 to vector<16xf32>
        %mul3A_300 = arith.mulf %add3A_297, %mul3A_299 : vector<16xf32>
        %sub3A_301 = arith.subf %mul3A_293, %bitcast_convert_type3A : vector<16xf32>
        %sub3A_302 = arith.subf %mul3A_300, %bitcast_convert_type3A_242 : vector<16xf32>
        %sub3A_303 = arith.subf %bitcast_convert_type3A_247, %mul3A_293 : vector<16xf32>
        %sub3A_304 = arith.subf %bitcast_convert_type3A_252, %mul3A_300 : vector<16xf32>
        %add3A_305 = arith.addf %sub3A_301, %sub3A_303 : vector<16xf32>
        %add3A_306 = arith.addf %sub3A_302, %sub3A_304 : vector<16xf32>
        %mul3A_307 = arith.mulf %add3A_305, %add3A_306 : vector<16xf32>
        %min3A = arith.minimumf %sub3A_301, %sub3A_302 : vector<16xf32>
        %min3A_308 = arith.minimumf %sub3A_303, %sub3A_304 : vector<16xf32>
        %min3A_309 = arith.minimumf %min3A, %min3A_308 : vector<16xf32>
        %max3A = arith.maximumf %sub3A_301, %sub3A_302 : vector<16xf32>
        %max3A_310 = arith.maximumf %sub3A_303, %sub3A_304 : vector<16xf32>
        %max3A_311 = arith.maximumf %max3A, %max3A_310 : vector<16xf32>
        %sub3A_312 = arith.subf %mul3A_293, %mul3A_260 : vector<16xf32>
        %abs3A = math.absf %sub3A_312 : vector<16xf32>
        %sub3A_313 = arith.subf %mul3A_300, %mul3A_264 : vector<16xf32>
        %abs3A_314 = math.absf %sub3A_313 : vector<16xf32>
        %max3A_315 = arith.maximumf %abs3A, %abs3A_314 : vector<16xf32>
        %gt3A_316 = arith.cmpf ogt, %min3A_309, %broadcast_in_dim3A_117 : vector<16xf32>
        %gt3A_317 = arith.constant 5.120000e+02 : f32
        %gt3A_318 = vector.broadcast %gt3A_317 : f32 to vector<16xf32>
        %gt3A_319 = arith.cmpf ogt, %max3A_311, %gt3A_318 : vector<16xf32>
        %and3A_320 = arith.andi %gt3A_316, %gt3A_319 : vector<16xi1>
        %le3A = arith.constant 9.999990e+05 : f32
        %le3A_321 = vector.broadcast %le3A : f32 to vector<16xf32>
        %le3A_322 = arith.cmpf ole, %max3A_311, %le3A_321 : vector<16xf32>
        %and3A_323 = arith.andi %and3A_320, %le3A_322 : vector<16xi1>
        %lt3A_324 = arith.constant 1.920000e+02 : f32
        %lt3A_325 = vector.broadcast %lt3A_324 : f32 to vector<16xf32>
        %lt3A_326 = arith.cmpf olt, %max3A_315, %lt3A_325 : vector<16xf32>
        %and3A_327 = arith.andi %and3A_323, %lt3A_326 : vector<16xi1>
        %mul3A_328 = arith.constant 8 : i32
        %mul3A_329 = vector.broadcast %mul3A_328 : i32 to vector<16xi32>
        %mul3A_330 = arith.muli %add3A_286, %mul3A_329 : vector<16xi32>
        %add3A_331 = arith.addi %mul3A_330, %add3A_275 : vector<16xi32>
        %add3A_332 = vector.broadcast %sub3A_176 : i32 to vector<16xi32>
        %add3A_333 = arith.addi %add3A_331, %add3A_332 : vector<16xi32>
        %ge3A = arith.constant 0 : i32
        %ge3A_334 = vector.broadcast %ge3A : i32 to vector<16xi32>
        %ge3A_335 = arith.cmpi sge, %add3A_333, %ge3A_334 : vector<16xi32>
        %and3A_336 = arith.andi %and3A_327, %ge3A_335 : vector<16xi1>
        %lt3A_337 = vector.broadcast %select_n3A_88 : i32 to vector<16xi32>
        %lt3A_338 = arith.cmpi slt, %add3A_333, %lt3A_337 : vector<16xi32>
        %and3A_339 = arith.andi %and3A_336, %lt3A_338 : vector<16xi1>
        %jit3A_340 = arith.constant 0 : i32
        %jit3A_341 = arith.constant 3279 : i32
        %max3A_342 = vector.broadcast %jit3A_340 : i32 to vector<16xi32>
        %max3A_343 = arith.maxsi %max3A_342, %add3A_333 : vector<16xi32>
        %min3A_344 = vector.broadcast %jit3A_341 : i32 to vector<16xi32>
        %min3A_345 = arith.minsi %min3A_344, %max3A_343 : vector<16xi32>
        %gather3A = tpu.vector_load_idx %arg10[%min3A_345] masked %and3A_339 : memref<3280xf32, #tpu.memory_space<vmem>>[vector<16xi32>], vector<16xf32>, vector<16xi1>
        %lt3A_346 = arith.cmpf olt, %mul3A_307, %gather3A : vector<16xf32>
        %and3A_347 = arith.andi %and3A_339, %lt3A_346 : vector<16xi1>
        tpu.vector_store_idx %arg10[%min3A_345], %mul3A_307 masked %and3A_347 : memref<3280xf32, #tpu.memory_space<vmem>>[vector<16xi32>], vector<16xf32>, vector<16xi1>
        tpu.vector_store_idx %arg12[%min3A_345], %sub3A_301 masked %and3A_347 : memref<3280xf32, #tpu.memory_space<vmem>>[vector<16xi32>], vector<16xf32>, vector<16xi1>
        tpu.vector_store_idx %arg13[%min3A_345], %sub3A_302 masked %and3A_347 : memref<3280xf32, #tpu.memory_space<vmem>>[vector<16xi32>], vector<16xf32>, vector<16xi1>
        tpu.vector_store_idx %arg14[%min3A_345], %sub3A_303 masked %and3A_347 : memref<3280xf32, #tpu.memory_space<vmem>>[vector<16xi32>], vector<16xf32>, vector<16xi1>
        tpu.vector_store_idx %arg15[%min3A_345], %sub3A_304 masked %and3A_347 : memref<3280xf32, #tpu.memory_space<vmem>>[vector<16xi32>], vector<16xf32>, vector<16xi1>
        tpu.vector_store_idx %arg11[%min3A_345], %get3A_256 masked %and3A_347 : memref<3280xi32, #tpu.memory_space<vmem>>[vector<16xi32>], vector<16xi32>, vector<16xi1>
      }
      %scan3A_233 = arith.constant 64 : i32
    } else {
    }
    %broadcast_in_dim3A_186 = arith.constant -1.000000e+00 : f32
    %broadcast_in_dim3A_187 = vector.broadcast %broadcast_in_dim3A_186 : f32 to vector<16xf32>
    %broadcast_in_dim3A_188 = arith.constant 0 : i32
    %broadcast_in_dim3A_189 = vector.broadcast %broadcast_in_dim3A_188 : i32 to vector<16xi32>
    %broadcast_in_dim3A_190 = arith.constant 9.000000e+07 : f32
    %broadcast_in_dim3A_191 = vector.broadcast %broadcast_in_dim3A_190 : f32 to vector<16xf32>
    %broadcast_in_dim3A_192 = arith.constant 532487669 : i32
    %broadcast_in_dim3A_193 = vector.broadcast %broadcast_in_dim3A_192 : i32 to vector<16xi32>
    %while3A_194 = arith.constant 0 : i32
    %while3A_195 = arith.constant 0 : i32
    %while3A_196 = arith.subi %select_n3A_112, %while3A_195 : i32
    %while3A_197 = arith.addi %while3A_195, %while3A_196 : i32
    %while3A_198 = arith.constant 1 : i32
    %while3A_199 = arith.divsi %while3A_196, %while3A_198 : i32
    %while3A_200 = arith.muli %while3A_199, %while3A_198 : i32
    %while3A_201 = arith.addi %while3A_195, %while3A_200 : i32
    %while3A_202 = arith.constant 1 : i32
    scf.for %while3A_229 = %while3A_195 to %while3A_201 step %while3A_202  : i32 {
      %mul3A_230 = arith.constant 16 : i32
      %mul3A_231 = arith.muli %while3A_229, %mul3A_230 : i32
      %get3A = arith.index_cast %mul3A_231 : i32 to index
      %get3A_232 = tpu.vector_load %arg10[%get3A] {strides = array<i32>} : memref<3280xf32, #tpu.memory_space<vmem>>, vector<16xf32>,
      %get3A_233 = arith.index_cast %mul3A_231 : i32 to index
      %get3A_234 = tpu.vector_load %arg12[%get3A_233] {strides = array<i32>} : memref<3280xf32, #tpu.memory_space<vmem>>, vector<16xf32>,
      %get3A_235 = arith.index_cast %mul3A_231 : i32 to index
      %get3A_236 = tpu.vector_load %arg13[%get3A_235] {strides = array<i32>} : memref<3280xf32, #tpu.memory_space<vmem>>, vector<16xf32>,
      %get3A_237 = arith.index_cast %mul3A_231 : i32 to index
      %get3A_238 = tpu.vector_load %arg14[%get3A_237] {strides = array<i32>} : memref<3280xf32, #tpu.memory_space<vmem>>, vector<16xf32>,
      %get3A_239 = arith.index_cast %mul3A_231 : i32 to index
      %get3A_240 = tpu.vector_load %arg15[%get3A_239] {strides = array<i32>} : memref<3280xf32, #tpu.memory_space<vmem>>, vector<16xf32>,
      %get3A_241 = arith.index_cast %mul3A_231 : i32 to index
      %get3A_242 = tpu.vector_load %arg11[%get3A_241] {strides = array<i32>} : memref<3280xi32, #tpu.memory_space<vmem>>, vector<16xi32>,
      %lt3A_243 = arith.cmpf olt, %get3A_232, %broadcast_in_dim3A_191 : vector<16xf32>
      %min3A = arith.minimumf %get3A_234, %get3A_238 : vector<16xf32>
      %max3A = arith.maximumf %get3A_234, %get3A_238 : vector<16xf32>
      %min3A_244 = arith.minimumf %get3A_236, %get3A_240 : vector<16xf32>
      %max3A_245 = arith.maximumf %get3A_236, %get3A_240 : vector<16xf32>
      %mul3A_246 = arith.mulf %min3A, %min3A_244 : vector<16xf32>
      %mul3A_247 = arith.mulf %max3A, %max3A_245 : vector<16xf32>
      %add3A_248 = arith.constant 1.000000e-10 : f32
      %add3A_249 = vector.broadcast %add3A_248 : f32 to vector<16xf32>
      %add3A_250 = arith.addf %mul3A_247, %add3A_249 : vector<16xf32>
      %div3A_251 = arith.divf %mul3A_246, %add3A_250 : vector<16xf32>
      %select_n3A_252 = arith.select %lt3A_243, %div3A_251, %broadcast_in_dim3A_119 : vector<16xi1>, vector<16xf32>
      %bitcast_convert_type3A = tpu.bitcast %select_n3A_252 : vector<16xf32> -> vector<16xi32>
      %shift_right_arithmetic3A_253 = arith.constant 1 : i32
      %shift_right_arithmetic3A_254 = vector.broadcast %shift_right_arithmetic3A_253 : i32 to vector<16xi32>
      %shift_right_arithmetic3A_255 = arith.shrsi %bitcast_convert_type3A, %shift_right_arithmetic3A_254 : vector<16xi32>
      %add3A_256 = arith.addi %shift_right_arithmetic3A_255, %broadcast_in_dim3A_193 : vector<16xi32>
      %bitcast_convert_type3A_257 = tpu.bitcast %add3A_256 : vector<16xi32> -> vector<16xf32>
      %div3A_258 = arith.divf %select_n3A_252, %bitcast_convert_type3A_257 : vector<16xf32>
      %add3A_259 = arith.addf %bitcast_convert_type3A_257, %div3A_258 : vector<16xf32>
      %mul3A_260 = arith.constant 5.000000e-01 : f32
      %mul3A_261 = vector.broadcast %mul3A_260 : f32 to vector<16xf32>
      %mul3A_262 = arith.mulf %add3A_259, %mul3A_261 : vector<16xf32>
      %div3A_263 = arith.divf %select_n3A_252, %mul3A_262 : vector<16xf32>
      %add3A_264 = arith.addf %mul3A_262, %div3A_263 : vector<16xf32>
      %mul3A_265 = arith.constant 5.000000e-01 : f32
      %mul3A_266 = vector.broadcast %mul3A_265 : f32 to vector<16xf32>
      %mul3A_267 = arith.mulf %add3A_264, %mul3A_266 : vector<16xf32>
      %select_n3A_268 = arith.select %lt3A_243, %mul3A_267, %broadcast_in_dim3A_187 : vector<16xi1>, vector<16xf32>
      %swap3A = arith.index_cast %mul3A_231 : i32 to index
      %swap3A_269 = tpu.vector_load %arg10[%swap3A] {strides = array<i32>} : memref<3280xf32, #tpu.memory_space<vmem>>, vector<16xf32>,
      tpu.vector_store %arg10[%swap3A], %select_n3A_268 {strides = array<i32>} : memref<3280xf32, #tpu.memory_space<vmem>>, vector<16xf32>,
      %select_n3A_270 = arith.select %lt3A_243, %get3A_242, %broadcast_in_dim3A_189 : vector<16xi1>, vector<16xi32>
      %swap3A_271 = arith.index_cast %mul3A_231 : i32 to index
      %swap3A_272 = tpu.vector_load %arg11[%swap3A_271] {strides = array<i32>} : memref<3280xi32, #tpu.memory_space<vmem>>, vector<16xi32>,
      tpu.vector_store %arg11[%swap3A_271], %select_n3A_270 {strides = array<i32>} : memref<3280xi32, #tpu.memory_space<vmem>>, vector<16xi32>,
      %select_n3A_273 = arith.select %lt3A_243, %get3A_234, %broadcast_in_dim3A_187 : vector<16xi1>, vector<16xf32>
      %swap3A_274 = arith.index_cast %mul3A_231 : i32 to index
      %swap3A_275 = tpu.vector_load %arg12[%swap3A_274] {strides = array<i32>} : memref<3280xf32, #tpu.memory_space<vmem>>, vector<16xf32>,
      tpu.vector_store %arg12[%swap3A_274], %select_n3A_273 {strides = array<i32>} : memref<3280xf32, #tpu.memory_space<vmem>>, vector<16xf32>,
      %select_n3A_276 = arith.select %lt3A_243, %get3A_236, %broadcast_in_dim3A_187 : vector<16xi1>, vector<16xf32>
      %swap3A_277 = arith.index_cast %mul3A_231 : i32 to index
      %swap3A_278 = tpu.vector_load %arg13[%swap3A_277] {strides = array<i32>} : memref<3280xf32, #tpu.memory_space<vmem>>, vector<16xf32>,
      tpu.vector_store %arg13[%swap3A_277], %select_n3A_276 {strides = array<i32>} : memref<3280xf32, #tpu.memory_space<vmem>>, vector<16xf32>,
      %select_n3A_279 = arith.select %lt3A_243, %get3A_238, %broadcast_in_dim3A_187 : vector<16xi1>, vector<16xf32>
      %swap3A_280 = arith.index_cast %mul3A_231 : i32 to index
      %swap3A_281 = tpu.vector_load %arg14[%swap3A_280] {strides = array<i32>} : memref<3280xf32, #tpu.memory_space<vmem>>, vector<16xf32>,
      tpu.vector_store %arg14[%swap3A_280], %select_n3A_279 {strides = array<i32>} : memref<3280xf32, #tpu.memory_space<vmem>>, vector<16xf32>,
      %select_n3A_282 = arith.select %lt3A_243, %get3A_240, %broadcast_in_dim3A_187 : vector<16xi1>, vector<16xf32>
      %swap3A_283 = arith.index_cast %mul3A_231 : i32 to index
      %swap3A_284 = tpu.vector_load %arg15[%swap3A_283] {strides = array<i32>} : memref<3280xf32, #tpu.memory_space<vmem>>, vector<16xf32>,
      tpu.vector_store %arg15[%swap3A_283], %select_n3A_282 {strides = array<i32>} : memref<3280xf32, #tpu.memory_space<vmem>>, vector<16xf32>,
    }
    %while3A_203 = arith.constant 1 : i32
    scf.for %while3A_229 = %while3A_201 to %while3A_197 step %while3A_203  : i32 {
      %mul3A_230 = arith.constant 16 : i32
      %mul3A_231 = arith.muli %while3A_229, %mul3A_230 : i32
      %get3A = arith.index_cast %mul3A_231 : i32 to index
      %get3A_232 = tpu.vector_load %arg10[%get3A] {strides = array<i32>} : memref<3280xf32, #tpu.memory_space<vmem>>, vector<16xf32>,
      %get3A_233 = arith.index_cast %mul3A_231 : i32 to index
      %get3A_234 = tpu.vector_load %arg12[%get3A_233] {strides = array<i32>} : memref<3280xf32, #tpu.memory_space<vmem>>, vector<16xf32>,
      %get3A_235 = arith.index_cast %mul3A_231 : i32 to index
      %get3A_236 = tpu.vector_load %arg13[%get3A_235] {strides = array<i32>} : memref<3280xf32, #tpu.memory_space<vmem>>, vector<16xf32>,
      %get3A_237 = arith.index_cast %mul3A_231 : i32 to index
      %get3A_238 = tpu.vector_load %arg14[%get3A_237] {strides = array<i32>} : memref<3280xf32, #tpu.memory_space<vmem>>, vector<16xf32>,
      %get3A_239 = arith.index_cast %mul3A_231 : i32 to index
      %get3A_240 = tpu.vector_load %arg15[%get3A_239] {strides = array<i32>} : memref<3280xf32, #tpu.memory_space<vmem>>, vector<16xf32>,
      %get3A_241 = arith.index_cast %mul3A_231 : i32 to index
      %get3A_242 = tpu.vector_load %arg11[%get3A_241] {strides = array<i32>} : memref<3280xi32, #tpu.memory_space<vmem>>, vector<16xi32>,
      %lt3A_243 = arith.cmpf olt, %get3A_232, %broadcast_in_dim3A_191 : vector<16xf32>
      %min3A = arith.minimumf %get3A_234, %get3A_238 : vector<16xf32>
      %max3A = arith.maximumf %get3A_234, %get3A_238 : vector<16xf32>
      %min3A_244 = arith.minimumf %get3A_236, %get3A_240 : vector<16xf32>
      %max3A_245 = arith.maximumf %get3A_236, %get3A_240 : vector<16xf32>
      %mul3A_246 = arith.mulf %min3A, %min3A_244 : vector<16xf32>
      %mul3A_247 = arith.mulf %max3A, %max3A_245 : vector<16xf32>
      %add3A_248 = arith.constant 1.000000e-10 : f32
      %add3A_249 = vector.broadcast %add3A_248 : f32 to vector<16xf32>
      %add3A_250 = arith.addf %mul3A_247, %add3A_249 : vector<16xf32>
      %div3A_251 = arith.divf %mul3A_246, %add3A_250 : vector<16xf32>
      %select_n3A_252 = arith.select %lt3A_243, %div3A_251, %broadcast_in_dim3A_119 : vector<16xi1>, vector<16xf32>
      %bitcast_convert_type3A = tpu.bitcast %select_n3A_252 : vector<16xf32> -> vector<16xi32>
      %shift_right_arithmetic3A_253 = arith.constant 1 : i32
      %shift_right_arithmetic3A_254 = vector.broadcast %shift_right_arithmetic3A_253 : i32 to vector<16xi32>
      %shift_right_arithmetic3A_255 = arith.shrsi %bitcast_convert_type3A, %shift_right_arithmetic3A_254 : vector<16xi32>
      %add3A_256 = arith.addi %shift_right_arithmetic3A_255, %broadcast_in_dim3A_193 : vector<16xi32>
      %bitcast_convert_type3A_257 = tpu.bitcast %add3A_256 : vector<16xi32> -> vector<16xf32>
      %div3A_258 = arith.divf %select_n3A_252, %bitcast_convert_type3A_257 : vector<16xf32>
      %add3A_259 = arith.addf %bitcast_convert_type3A_257, %div3A_258 : vector<16xf32>
      %mul3A_260 = arith.constant 5.000000e-01 : f32
      %mul3A_261 = vector.broadcast %mul3A_260 : f32 to vector<16xf32>
      %mul3A_262 = arith.mulf %add3A_259, %mul3A_261 : vector<16xf32>
      %div3A_263 = arith.divf %select_n3A_252, %mul3A_262 : vector<16xf32>
      %add3A_264 = arith.addf %mul3A_262, %div3A_263 : vector<16xf32>
      %mul3A_265 = arith.constant 5.000000e-01 : f32
      %mul3A_266 = vector.broadcast %mul3A_265 : f32 to vector<16xf32>
      %mul3A_267 = arith.mulf %add3A_264, %mul3A_266 : vector<16xf32>
      %select_n3A_268 = arith.select %lt3A_243, %mul3A_267, %broadcast_in_dim3A_187 : vector<16xi1>, vector<16xf32>
      %swap3A = arith.index_cast %mul3A_231 : i32 to index
      %swap3A_269 = tpu.vector_load %arg10[%swap3A] {strides = array<i32>} : memref<3280xf32, #tpu.memory_space<vmem>>, vector<16xf32>,
      tpu.vector_store %arg10[%swap3A], %select_n3A_268 {strides = array<i32>} : memref<3280xf32, #tpu.memory_space<vmem>>, vector<16xf32>,
      %select_n3A_270 = arith.select %lt3A_243, %get3A_242, %broadcast_in_dim3A_189 : vector<16xi1>, vector<16xi32>
      %swap3A_271 = arith.index_cast %mul3A_231 : i32 to index
      %swap3A_272 = tpu.vector_load %arg11[%swap3A_271] {strides = array<i32>} : memref<3280xi32, #tpu.memory_space<vmem>>, vector<16xi32>,
      tpu.vector_store %arg11[%swap3A_271], %select_n3A_270 {strides = array<i32>} : memref<3280xi32, #tpu.memory_space<vmem>>, vector<16xi32>,
      %select_n3A_273 = arith.select %lt3A_243, %get3A_234, %broadcast_in_dim3A_187 : vector<16xi1>, vector<16xf32>
      %swap3A_274 = arith.index_cast %mul3A_231 : i32 to index
      %swap3A_275 = tpu.vector_load %arg12[%swap3A_274] {strides = array<i32>} : memref<3280xf32, #tpu.memory_space<vmem>>, vector<16xf32>,
      tpu.vector_store %arg12[%swap3A_274], %select_n3A_273 {strides = array<i32>} : memref<3280xf32, #tpu.memory_space<vmem>>, vector<16xf32>,
      %select_n3A_276 = arith.select %lt3A_243, %get3A_236, %broadcast_in_dim3A_187 : vector<16xi1>, vector<16xf32>
      %swap3A_277 = arith.index_cast %mul3A_231 : i32 to index
      %swap3A_278 = tpu.vector_load %arg13[%swap3A_277] {strides = array<i32>} : memref<3280xf32, #tpu.memory_space<vmem>>, vector<16xf32>,
      tpu.vector_store %arg13[%swap3A_277], %select_n3A_276 {strides = array<i32>} : memref<3280xf32, #tpu.memory_space<vmem>>, vector<16xf32>,
      %select_n3A_279 = arith.select %lt3A_243, %get3A_238, %broadcast_in_dim3A_187 : vector<16xi1>, vector<16xf32>
      %swap3A_280 = arith.index_cast %mul3A_231 : i32 to index
      %swap3A_281 = tpu.vector_load %arg14[%swap3A_280] {strides = array<i32>} : memref<3280xf32, #tpu.memory_space<vmem>>, vector<16xf32>,
      tpu.vector_store %arg14[%swap3A_280], %select_n3A_279 {strides = array<i32>} : memref<3280xf32, #tpu.memory_space<vmem>>, vector<16xf32>,
      %select_n3A_282 = arith.select %lt3A_243, %get3A_240, %broadcast_in_dim3A_187 : vector<16xi1>, vector<16xf32>
      %swap3A_283 = arith.index_cast %mul3A_231 : i32 to index
      %swap3A_284 = tpu.vector_load %arg15[%swap3A_283] {strides = array<i32>} : memref<3280xf32, #tpu.memory_space<vmem>>, vector<16xf32>,
      tpu.vector_store %arg15[%swap3A_283], %select_n3A_282 {strides = array<i32>} : memref<3280xf32, #tpu.memory_space<vmem>>, vector<16xf32>,
    }
    %mul3A_204 = arith.constant 22016 : i32
    %mul3A_205 = arith.muli %select_n3A, %mul3A_204 : i32
    %add3A_206 = arith.addi %mul3A_205, %select_n3A_84 : i32
    %multiple_of3A = tpu.assume_multiple %add3A_206, 16 : i32
    %lt3A_207 = arith.constant 4 : i32
    %lt3A_208 = arith.cmpi slt, %select_n3A_30, %lt3A_207 : i32
    %eq3A_209 = arith.constant 4 : i32
    %eq3A_210 = arith.cmpi eq, %select_n3A_30, %eq3A_209 : i32
    %eq3A_211 = arith.constant 5 : i32
    %eq3A_212 = arith.cmpi eq, %select_n3A_30, %eq3A_211 : i32
    %eq3A_213 = arith.constant 6 : i32
    %eq3A_214 = arith.cmpi eq, %select_n3A_30, %eq3A_213 : i32
    %or3A = arith.ori %eq3A_212, %eq3A_214 : i1
    %eq3A_215 = arith.constant 7 : i32
    %eq3A_216 = arith.cmpi eq, %select_n3A_30, %eq3A_215 : i32
    %convert_element_type3A_217 = arith.extui %lt3A_208 : i1 to i32
    %cond3A_218 = arith.constant 0 : i32
    %cond3A_219 = arith.cmpi ne, %convert_element_type3A_217, %cond3A_218 : i32
    scf.if %cond3A_219 {
      %dma_start3A = arith.constant 0 : i32
      %dma_start3A_229 = tpu.memref_slice %arg11[%dma_start3A] : memref<3280xi32, #tpu.memory_space<vmem>> -> memref<3280xi32, #tpu.memory_space<vmem>>
      %dma_start3A_230 = tpu.memref_slice %arg3[%multiple_of3A] : memref<88064xi32, #tpu.memory_space<hbm>> -> memref<3280xi32, #tpu.memory_space<hbm>>
      %dma_start3A_231 = tpu.memref_slice %arg3[%multiple_of3A] : memref<88064xi32, #tpu.memory_space<hbm>> -> memref<3280xi32, #tpu.memory_space<hbm>>
      %dma_start3A_232 = arith.constant 0 : i32
      %dma_start3A_233 = tpu.memref_slice %arg11[%dma_start3A_232] : memref<3280xi32, #tpu.memory_space<vmem>> -> memref<3280xi32, #tpu.memory_space<vmem>>
      tpu.enqueue_dma source(%dma_start3A_233 : memref<3280xi32, #tpu.memory_space<vmem>>) target(%dma_start3A_231 : memref<3280xi32, #tpu.memory_space<hbm>>) target_semaphore(%arg16 : memref<!tpu.dma_semaphore, #tpu.memory_space<semaphore_mem>>)
      %dma_start3A_234 = arith.constant 0 : i32
      %dma_start3A_235 = tpu.memref_slice %arg10[%dma_start3A_234] : memref<3280xf32, #tpu.memory_space<vmem>> -> memref<3280xf32, #tpu.memory_space<vmem>>
      %dma_start3A_236 = tpu.memref_slice %arg4[%multiple_of3A] : memref<88064xf32, #tpu.memory_space<hbm>> -> memref<3280xf32, #tpu.memory_space<hbm>>
      %dma_start3A_237 = tpu.memref_slice %arg4[%multiple_of3A] : memref<88064xf32, #tpu.memory_space<hbm>> -> memref<3280xf32, #tpu.memory_space<hbm>>
      %dma_start3A_238 = arith.constant 0 : i32
      %dma_start3A_239 = tpu.memref_slice %arg10[%dma_start3A_238] : memref<3280xf32, #tpu.memory_space<vmem>> -> memref<3280xf32, #tpu.memory_space<vmem>>
      tpu.enqueue_dma source(%dma_start3A_239 : memref<3280xf32, #tpu.memory_space<vmem>>) target(%dma_start3A_237 : memref<3280xf32, #tpu.memory_space<hbm>>) target_semaphore(%arg16 : memref<!tpu.dma_semaphore, #tpu.memory_space<semaphore_mem>>)
      %dma_start3A_240 = arith.constant 0 : i32
      %dma_start3A_241 = tpu.memref_slice %arg12[%dma_start3A_240] : memref<3280xf32, #tpu.memory_space<vmem>> -> memref<3280xf32, #tpu.memory_space<vmem>>
      %dma_start3A_242 = tpu.memref_slice %arg5[%multiple_of3A] : memref<88064xf32, #tpu.memory_space<hbm>> -> memref<3280xf32, #tpu.memory_space<hbm>>
      %dma_start3A_243 = tpu.memref_slice %arg5[%multiple_of3A] : memref<88064xf32, #tpu.memory_space<hbm>> -> memref<3280xf32, #tpu.memory_space<hbm>>
      %dma_start3A_244 = arith.constant 0 : i32
      %dma_start3A_245 = tpu.memref_slice %arg12[%dma_start3A_244] : memref<3280xf32, #tpu.memory_space<vmem>> -> memref<3280xf32, #tpu.memory_space<vmem>>
      tpu.enqueue_dma source(%dma_start3A_245 : memref<3280xf32, #tpu.memory_space<vmem>>) target(%dma_start3A_243 : memref<3280xf32, #tpu.memory_space<hbm>>) target_semaphore(%arg16 : memref<!tpu.dma_semaphore, #tpu.memory_space<semaphore_mem>>)
      %dma_start3A_246 = arith.constant 0 : i32
      %dma_start3A_247 = tpu.memref_slice %arg13[%dma_start3A_246] : memref<3280xf32, #tpu.memory_space<vmem>> -> memref<3280xf32, #tpu.memory_space<vmem>>
      %dma_start3A_248 = tpu.memref_slice %arg6[%multiple_of3A] : memref<88064xf32, #tpu.memory_space<hbm>> -> memref<3280xf32, #tpu.memory_space<hbm>>
      %dma_start3A_249 = tpu.memref_slice %arg6[%multiple_of3A] : memref<88064xf32, #tpu.memory_space<hbm>> -> memref<3280xf32, #tpu.memory_space<hbm>>
      %dma_start3A_250 = arith.constant 0 : i32
      %dma_start3A_251 = tpu.memref_slice %arg13[%dma_start3A_250] : memref<3280xf32, #tpu.memory_space<vmem>> -> memref<3280xf32, #tpu.memory_space<vmem>>
      tpu.enqueue_dma source(%dma_start3A_251 : memref<3280xf32, #tpu.memory_space<vmem>>) target(%dma_start3A_249 : memref<3280xf32, #tpu.memory_space<hbm>>) target_semaphore(%arg16 : memref<!tpu.dma_semaphore, #tpu.memory_space<semaphore_mem>>)
      %dma_start3A_252 = arith.constant 0 : i32
      %dma_start3A_253 = tpu.memref_slice %arg14[%dma_start3A_252] : memref<3280xf32, #tpu.memory_space<vmem>> -> memref<3280xf32, #tpu.memory_space<vmem>>
      %dma_start3A_254 = tpu.memref_slice %arg7[%multiple_of3A] : memref<88064xf32, #tpu.memory_space<hbm>> -> memref<3280xf32, #tpu.memory_space<hbm>>
      %dma_start3A_255 = tpu.memref_slice %arg7[%multiple_of3A] : memref<88064xf32, #tpu.memory_space<hbm>> -> memref<3280xf32, #tpu.memory_space<hbm>>
      %dma_start3A_256 = arith.constant 0 : i32
      %dma_start3A_257 = tpu.memref_slice %arg14[%dma_start3A_256] : memref<3280xf32, #tpu.memory_space<vmem>> -> memref<3280xf32, #tpu.memory_space<vmem>>
      tpu.enqueue_dma source(%dma_start3A_257 : memref<3280xf32, #tpu.memory_space<vmem>>) target(%dma_start3A_255 : memref<3280xf32, #tpu.memory_space<hbm>>) target_semaphore(%arg16 : memref<!tpu.dma_semaphore, #tpu.memory_space<semaphore_mem>>)
      %dma_start3A_258 = arith.constant 0 : i32
      %dma_start3A_259 = tpu.memref_slice %arg15[%dma_start3A_258] : memref<3280xf32, #tpu.memory_space<vmem>> -> memref<3280xf32, #tpu.memory_space<vmem>>
      %dma_start3A_260 = tpu.memref_slice %arg8[%multiple_of3A] : memref<88064xf32, #tpu.memory_space<hbm>> -> memref<3280xf32, #tpu.memory_space<hbm>>
      %dma_start3A_261 = tpu.memref_slice %arg8[%multiple_of3A] : memref<88064xf32, #tpu.memory_space<hbm>> -> memref<3280xf32, #tpu.memory_space<hbm>>
      %dma_start3A_262 = arith.constant 0 : i32
      %dma_start3A_263 = tpu.memref_slice %arg15[%dma_start3A_262] : memref<3280xf32, #tpu.memory_space<vmem>> -> memref<3280xf32, #tpu.memory_space<vmem>>
      tpu.enqueue_dma source(%dma_start3A_263 : memref<3280xf32, #tpu.memory_space<vmem>>) target(%dma_start3A_261 : memref<3280xf32, #tpu.memory_space<hbm>>) target_semaphore(%arg16 : memref<!tpu.dma_semaphore, #tpu.memory_space<semaphore_mem>>)
      %dma_wait3A = arith.constant 0 : i32
      %dma_wait3A_264 = tpu.memref_slice %arg11[%dma_wait3A] : memref<3280xi32, #tpu.memory_space<vmem>> -> memref<3280xi32, #tpu.memory_space<vmem>>
      %dma_wait3A_265 = tpu.memref_slice %arg3[%multiple_of3A] : memref<88064xi32, #tpu.memory_space<hbm>> -> memref<3280xi32, #tpu.memory_space<hbm>>
      %dma_wait3A_266 = tpu.memref_slice %arg3[%multiple_of3A] : memref<88064xi32, #tpu.memory_space<hbm>> -> memref<3280xi32, #tpu.memory_space<hbm>>
      %dma_wait3A_267 = arith.constant 0 : i32
      %dma_wait3A_268 = tpu.memref_slice %arg11[%dma_wait3A_267] : memref<3280xi32, #tpu.memory_space<vmem>> -> memref<3280xi32, #tpu.memory_space<vmem>>
      tpu.wait_dma2 semaphore(%arg16 : memref<!tpu.dma_semaphore, #tpu.memory_space<semaphore_mem>>) src(%dma_wait3A_268 : memref<3280xi32, #tpu.memory_space<vmem>>) dst(%dma_wait3A_266 : memref<3280xi32, #tpu.memory_space<hbm>>)
      %dma_wait3A_269 = arith.constant 0 : i32
      %dma_wait3A_270 = tpu.memref_slice %arg10[%dma_wait3A_269] : memref<3280xf32, #tpu.memory_space<vmem>> -> memref<3280xf32, #tpu.memory_space<vmem>>
      %dma_wait3A_271 = tpu.memref_slice %arg4[%multiple_of3A] : memref<88064xf32, #tpu.memory_space<hbm>> -> memref<3280xf32, #tpu.memory_space<hbm>>
      %dma_wait3A_272 = tpu.memref_slice %arg4[%multiple_of3A] : memref<88064xf32, #tpu.memory_space<hbm>> -> memref<3280xf32, #tpu.memory_space<hbm>>
      %dma_wait3A_273 = arith.constant 0 : i32
      %dma_wait3A_274 = tpu.memref_slice %arg10[%dma_wait3A_273] : memref<3280xf32, #tpu.memory_space<vmem>> -> memref<3280xf32, #tpu.memory_space<vmem>>
      tpu.wait_dma2 semaphore(%arg16 : memref<!tpu.dma_semaphore, #tpu.memory_space<semaphore_mem>>) src(%dma_wait3A_274 : memref<3280xf32, #tpu.memory_space<vmem>>) dst(%dma_wait3A_272 : memref<3280xf32, #tpu.memory_space<hbm>>)
      %dma_wait3A_275 = arith.constant 0 : i32
      %dma_wait3A_276 = tpu.memref_slice %arg12[%dma_wait3A_275] : memref<3280xf32, #tpu.memory_space<vmem>> -> memref<3280xf32, #tpu.memory_space<vmem>>
      %dma_wait3A_277 = tpu.memref_slice %arg5[%multiple_of3A] : memref<88064xf32, #tpu.memory_space<hbm>> -> memref<3280xf32, #tpu.memory_space<hbm>>
      %dma_wait3A_278 = tpu.memref_slice %arg5[%multiple_of3A] : memref<88064xf32, #tpu.memory_space<hbm>> -> memref<3280xf32, #tpu.memory_space<hbm>>
      %dma_wait3A_279 = arith.constant 0 : i32
      %dma_wait3A_280 = tpu.memref_slice %arg12[%dma_wait3A_279] : memref<3280xf32, #tpu.memory_space<vmem>> -> memref<3280xf32, #tpu.memory_space<vmem>>
      tpu.wait_dma2 semaphore(%arg16 : memref<!tpu.dma_semaphore, #tpu.memory_space<semaphore_mem>>) src(%dma_wait3A_280 : memref<3280xf32, #tpu.memory_space<vmem>>) dst(%dma_wait3A_278 : memref<3280xf32, #tpu.memory_space<hbm>>)
      %dma_wait3A_281 = arith.constant 0 : i32
      %dma_wait3A_282 = tpu.memref_slice %arg13[%dma_wait3A_281] : memref<3280xf32, #tpu.memory_space<vmem>> -> memref<3280xf32, #tpu.memory_space<vmem>>
      %dma_wait3A_283 = tpu.memref_slice %arg6[%multiple_of3A] : memref<88064xf32, #tpu.memory_space<hbm>> -> memref<3280xf32, #tpu.memory_space<hbm>>
      %dma_wait3A_284 = tpu.memref_slice %arg6[%multiple_of3A] : memref<88064xf32, #tpu.memory_space<hbm>> -> memref<3280xf32, #tpu.memory_space<hbm>>
      %dma_wait3A_285 = arith.constant 0 : i32
      %dma_wait3A_286 = tpu.memref_slice %arg13[%dma_wait3A_285] : memref<3280xf32, #tpu.memory_space<vmem>> -> memref<3280xf32, #tpu.memory_space<vmem>>
      tpu.wait_dma2 semaphore(%arg16 : memref<!tpu.dma_semaphore, #tpu.memory_space<semaphore_mem>>) src(%dma_wait3A_286 : memref<3280xf32, #tpu.memory_space<vmem>>) dst(%dma_wait3A_284 : memref<3280xf32, #tpu.memory_space<hbm>>)
      %dma_wait3A_287 = arith.constant 0 : i32
      %dma_wait3A_288 = tpu.memref_slice %arg14[%dma_wait3A_287] : memref<3280xf32, #tpu.memory_space<vmem>> -> memref<3280xf32, #tpu.memory_space<vmem>>
      %dma_wait3A_289 = tpu.memref_slice %arg7[%multiple_of3A] : memref<88064xf32, #tpu.memory_space<hbm>> -> memref<3280xf32, #tpu.memory_space<hbm>>
      %dma_wait3A_290 = tpu.memref_slice %arg7[%multiple_of3A] : memref<88064xf32, #tpu.memory_space<hbm>> -> memref<3280xf32, #tpu.memory_space<hbm>>
      %dma_wait3A_291 = arith.constant 0 : i32
      %dma_wait3A_292 = tpu.memref_slice %arg14[%dma_wait3A_291] : memref<3280xf32, #tpu.memory_space<vmem>> -> memref<3280xf32, #tpu.memory_space<vmem>>
      tpu.wait_dma2 semaphore(%arg16 : memref<!tpu.dma_semaphore, #tpu.memory_space<semaphore_mem>>) src(%dma_wait3A_292 : memref<3280xf32, #tpu.memory_space<vmem>>) dst(%dma_wait3A_290 : memref<3280xf32, #tpu.memory_space<hbm>>)
      %dma_wait3A_293 = arith.constant 0 : i32
      %dma_wait3A_294 = tpu.memref_slice %arg15[%dma_wait3A_293] : memref<3280xf32, #tpu.memory_space<vmem>> -> memref<3280xf32, #tpu.memory_space<vmem>>
      %dma_wait3A_295 = tpu.memref_slice %arg8[%multiple_of3A] : memref<88064xf32, #tpu.memory_space<hbm>> -> memref<3280xf32, #tpu.memory_space<hbm>>
      %dma_wait3A_296 = tpu.memref_slice %arg8[%multiple_of3A] : memref<88064xf32, #tpu.memory_space<hbm>> -> memref<3280xf32, #tpu.memory_space<hbm>>
      %dma_wait3A_297 = arith.constant 0 : i32
      %dma_wait3A_298 = tpu.memref_slice %arg15[%dma_wait3A_297] : memref<3280xf32, #tpu.memory_space<vmem>> -> memref<3280xf32, #tpu.memory_space<vmem>>
      tpu.wait_dma2 semaphore(%arg16 : memref<!tpu.dma_semaphore, #tpu.memory_space<semaphore_mem>>) src(%dma_wait3A_298 : memref<3280xf32, #tpu.memory_space<vmem>>) dst(%dma_wait3A_296 : memref<3280xf32, #tpu.memory_space<hbm>>)
    } else {
    }
    %convert_element_type3A_220 = arith.extui %eq3A_210 : i1 to i32
    %cond3A_221 = arith.constant 0 : i32
    %cond3A_222 = arith.cmpi ne, %convert_element_type3A_220, %cond3A_221 : i32
    scf.if %cond3A_222 {
      %dma_start3A = arith.constant 0 : i32
      %dma_start3A_229 = tpu.memref_slice %arg11[%dma_start3A] : memref<3280xi32, #tpu.memory_space<vmem>> -> memref<3264xi32, #tpu.memory_space<vmem>>
      %dma_start3A_230 = tpu.memref_slice %arg3[%multiple_of3A] : memref<88064xi32, #tpu.memory_space<hbm>> -> memref<3264xi32, #tpu.memory_space<hbm>>
      %dma_start3A_231 = tpu.memref_slice %arg3[%multiple_of3A] : memref<88064xi32, #tpu.memory_space<hbm>> -> memref<3264xi32, #tpu.memory_space<hbm>>
      %dma_start3A_232 = arith.constant 0 : i32
      %dma_start3A_233 = tpu.memref_slice %arg11[%dma_start3A_232] : memref<3280xi32, #tpu.memory_space<vmem>> -> memref<3264xi32, #tpu.memory_space<vmem>>
      tpu.enqueue_dma source(%dma_start3A_233 : memref<3264xi32, #tpu.memory_space<vmem>>) target(%dma_start3A_231 : memref<3264xi32, #tpu.memory_space<hbm>>) target_semaphore(%arg16 : memref<!tpu.dma_semaphore, #tpu.memory_space<semaphore_mem>>)
      %dma_start3A_234 = arith.constant 0 : i32
      %dma_start3A_235 = tpu.memref_slice %arg10[%dma_start3A_234] : memref<3280xf32, #tpu.memory_space<vmem>> -> memref<3264xf32, #tpu.memory_space<vmem>>
      %dma_start3A_236 = tpu.memref_slice %arg4[%multiple_of3A] : memref<88064xf32, #tpu.memory_space<hbm>> -> memref<3264xf32, #tpu.memory_space<hbm>>
      %dma_start3A_237 = tpu.memref_slice %arg4[%multiple_of3A] : memref<88064xf32, #tpu.memory_space<hbm>> -> memref<3264xf32, #tpu.memory_space<hbm>>
      %dma_start3A_238 = arith.constant 0 : i32
      %dma_start3A_239 = tpu.memref_slice %arg10[%dma_start3A_238] : memref<3280xf32, #tpu.memory_space<vmem>> -> memref<3264xf32, #tpu.memory_space<vmem>>
      tpu.enqueue_dma source(%dma_start3A_239 : memref<3264xf32, #tpu.memory_space<vmem>>) target(%dma_start3A_237 : memref<3264xf32, #tpu.memory_space<hbm>>) target_semaphore(%arg16 : memref<!tpu.dma_semaphore, #tpu.memory_space<semaphore_mem>>)
      %dma_start3A_240 = arith.constant 0 : i32
      %dma_start3A_241 = tpu.memref_slice %arg12[%dma_start3A_240] : memref<3280xf32, #tpu.memory_space<vmem>> -> memref<3264xf32, #tpu.memory_space<vmem>>
      %dma_start3A_242 = tpu.memref_slice %arg5[%multiple_of3A] : memref<88064xf32, #tpu.memory_space<hbm>> -> memref<3264xf32, #tpu.memory_space<hbm>>
      %dma_start3A_243 = tpu.memref_slice %arg5[%multiple_of3A] : memref<88064xf32, #tpu.memory_space<hbm>> -> memref<3264xf32, #tpu.memory_space<hbm>>
      %dma_start3A_244 = arith.constant 0 : i32
      %dma_start3A_245 = tpu.memref_slice %arg12[%dma_start3A_244] : memref<3280xf32, #tpu.memory_space<vmem>> -> memref<3264xf32, #tpu.memory_space<vmem>>
      tpu.enqueue_dma source(%dma_start3A_245 : memref<3264xf32, #tpu.memory_space<vmem>>) target(%dma_start3A_243 : memref<3264xf32, #tpu.memory_space<hbm>>) target_semaphore(%arg16 : memref<!tpu.dma_semaphore, #tpu.memory_space<semaphore_mem>>)
      %dma_start3A_246 = arith.constant 0 : i32
      %dma_start3A_247 = tpu.memref_slice %arg13[%dma_start3A_246] : memref<3280xf32, #tpu.memory_space<vmem>> -> memref<3264xf32, #tpu.memory_space<vmem>>
      %dma_start3A_248 = tpu.memref_slice %arg6[%multiple_of3A] : memref<88064xf32, #tpu.memory_space<hbm>> -> memref<3264xf32, #tpu.memory_space<hbm>>
      %dma_start3A_249 = tpu.memref_slice %arg6[%multiple_of3A] : memref<88064xf32, #tpu.memory_space<hbm>> -> memref<3264xf32, #tpu.memory_space<hbm>>
      %dma_start3A_250 = arith.constant 0 : i32
      %dma_start3A_251 = tpu.memref_slice %arg13[%dma_start3A_250] : memref<3280xf32, #tpu.memory_space<vmem>> -> memref<3264xf32, #tpu.memory_space<vmem>>
      tpu.enqueue_dma source(%dma_start3A_251 : memref<3264xf32, #tpu.memory_space<vmem>>) target(%dma_start3A_249 : memref<3264xf32, #tpu.memory_space<hbm>>) target_semaphore(%arg16 : memref<!tpu.dma_semaphore, #tpu.memory_space<semaphore_mem>>)
      %dma_start3A_252 = arith.constant 0 : i32
      %dma_start3A_253 = tpu.memref_slice %arg14[%dma_start3A_252] : memref<3280xf32, #tpu.memory_space<vmem>> -> memref<3264xf32, #tpu.memory_space<vmem>>
      %dma_start3A_254 = tpu.memref_slice %arg7[%multiple_of3A] : memref<88064xf32, #tpu.memory_space<hbm>> -> memref<3264xf32, #tpu.memory_space<hbm>>
      %dma_start3A_255 = tpu.memref_slice %arg7[%multiple_of3A] : memref<88064xf32, #tpu.memory_space<hbm>> -> memref<3264xf32, #tpu.memory_space<hbm>>
      %dma_start3A_256 = arith.constant 0 : i32
      %dma_start3A_257 = tpu.memref_slice %arg14[%dma_start3A_256] : memref<3280xf32, #tpu.memory_space<vmem>> -> memref<3264xf32, #tpu.memory_space<vmem>>
      tpu.enqueue_dma source(%dma_start3A_257 : memref<3264xf32, #tpu.memory_space<vmem>>) target(%dma_start3A_255 : memref<3264xf32, #tpu.memory_space<hbm>>) target_semaphore(%arg16 : memref<!tpu.dma_semaphore, #tpu.memory_space<semaphore_mem>>)
      %dma_start3A_258 = arith.constant 0 : i32
      %dma_start3A_259 = tpu.memref_slice %arg15[%dma_start3A_258] : memref<3280xf32, #tpu.memory_space<vmem>> -> memref<3264xf32, #tpu.memory_space<vmem>>
      %dma_start3A_260 = tpu.memref_slice %arg8[%multiple_of3A] : memref<88064xf32, #tpu.memory_space<hbm>> -> memref<3264xf32, #tpu.memory_space<hbm>>
      %dma_start3A_261 = tpu.memref_slice %arg8[%multiple_of3A] : memref<88064xf32, #tpu.memory_space<hbm>> -> memref<3264xf32, #tpu.memory_space<hbm>>
      %dma_start3A_262 = arith.constant 0 : i32
      %dma_start3A_263 = tpu.memref_slice %arg15[%dma_start3A_262] : memref<3280xf32, #tpu.memory_space<vmem>> -> memref<3264xf32, #tpu.memory_space<vmem>>
      tpu.enqueue_dma source(%dma_start3A_263 : memref<3264xf32, #tpu.memory_space<vmem>>) target(%dma_start3A_261 : memref<3264xf32, #tpu.memory_space<hbm>>) target_semaphore(%arg16 : memref<!tpu.dma_semaphore, #tpu.memory_space<semaphore_mem>>)
      %dma_wait3A = arith.constant 0 : i32
      %dma_wait3A_264 = tpu.memref_slice %arg11[%dma_wait3A] : memref<3280xi32, #tpu.memory_space<vmem>> -> memref<3264xi32, #tpu.memory_space<vmem>>
      %dma_wait3A_265 = tpu.memref_slice %arg3[%multiple_of3A] : memref<88064xi32, #tpu.memory_space<hbm>> -> memref<3264xi32, #tpu.memory_space<hbm>>
      %dma_wait3A_266 = tpu.memref_slice %arg3[%multiple_of3A] : memref<88064xi32, #tpu.memory_space<hbm>> -> memref<3264xi32, #tpu.memory_space<hbm>>
      %dma_wait3A_267 = arith.constant 0 : i32
      %dma_wait3A_268 = tpu.memref_slice %arg11[%dma_wait3A_267] : memref<3280xi32, #tpu.memory_space<vmem>> -> memref<3264xi32, #tpu.memory_space<vmem>>
      tpu.wait_dma2 semaphore(%arg16 : memref<!tpu.dma_semaphore, #tpu.memory_space<semaphore_mem>>) src(%dma_wait3A_268 : memref<3264xi32, #tpu.memory_space<vmem>>) dst(%dma_wait3A_266 : memref<3264xi32, #tpu.memory_space<hbm>>)
      %dma_wait3A_269 = arith.constant 0 : i32
      %dma_wait3A_270 = tpu.memref_slice %arg10[%dma_wait3A_269] : memref<3280xf32, #tpu.memory_space<vmem>> -> memref<3264xf32, #tpu.memory_space<vmem>>
      %dma_wait3A_271 = tpu.memref_slice %arg4[%multiple_of3A] : memref<88064xf32, #tpu.memory_space<hbm>> -> memref<3264xf32, #tpu.memory_space<hbm>>
      %dma_wait3A_272 = tpu.memref_slice %arg4[%multiple_of3A] : memref<88064xf32, #tpu.memory_space<hbm>> -> memref<3264xf32, #tpu.memory_space<hbm>>
      %dma_wait3A_273 = arith.constant 0 : i32
      %dma_wait3A_274 = tpu.memref_slice %arg10[%dma_wait3A_273] : memref<3280xf32, #tpu.memory_space<vmem>> -> memref<3264xf32, #tpu.memory_space<vmem>>
      tpu.wait_dma2 semaphore(%arg16 : memref<!tpu.dma_semaphore, #tpu.memory_space<semaphore_mem>>) src(%dma_wait3A_274 : memref<3264xf32, #tpu.memory_space<vmem>>) dst(%dma_wait3A_272 : memref<3264xf32, #tpu.memory_space<hbm>>)
      %dma_wait3A_275 = arith.constant 0 : i32
      %dma_wait3A_276 = tpu.memref_slice %arg12[%dma_wait3A_275] : memref<3280xf32, #tpu.memory_space<vmem>> -> memref<3264xf32, #tpu.memory_space<vmem>>
      %dma_wait3A_277 = tpu.memref_slice %arg5[%multiple_of3A] : memref<88064xf32, #tpu.memory_space<hbm>> -> memref<3264xf32, #tpu.memory_space<hbm>>
      %dma_wait3A_278 = tpu.memref_slice %arg5[%multiple_of3A] : memref<88064xf32, #tpu.memory_space<hbm>> -> memref<3264xf32, #tpu.memory_space<hbm>>
      %dma_wait3A_279 = arith.constant 0 : i32
      %dma_wait3A_280 = tpu.memref_slice %arg12[%dma_wait3A_279] : memref<3280xf32, #tpu.memory_space<vmem>> -> memref<3264xf32, #tpu.memory_space<vmem>>
      tpu.wait_dma2 semaphore(%arg16 : memref<!tpu.dma_semaphore, #tpu.memory_space<semaphore_mem>>) src(%dma_wait3A_280 : memref<3264xf32, #tpu.memory_space<vmem>>) dst(%dma_wait3A_278 : memref<3264xf32, #tpu.memory_space<hbm>>)
      %dma_wait3A_281 = arith.constant 0 : i32
      %dma_wait3A_282 = tpu.memref_slice %arg13[%dma_wait3A_281] : memref<3280xf32, #tpu.memory_space<vmem>> -> memref<3264xf32, #tpu.memory_space<vmem>>
      %dma_wait3A_283 = tpu.memref_slice %arg6[%multiple_of3A] : memref<88064xf32, #tpu.memory_space<hbm>> -> memref<3264xf32, #tpu.memory_space<hbm>>
      %dma_wait3A_284 = tpu.memref_slice %arg6[%multiple_of3A] : memref<88064xf32, #tpu.memory_space<hbm>> -> memref<3264xf32, #tpu.memory_space<hbm>>
      %dma_wait3A_285 = arith.constant 0 : i32
      %dma_wait3A_286 = tpu.memref_slice %arg13[%dma_wait3A_285] : memref<3280xf32, #tpu.memory_space<vmem>> -> memref<3264xf32, #tpu.memory_space<vmem>>
      tpu.wait_dma2 semaphore(%arg16 : memref<!tpu.dma_semaphore, #tpu.memory_space<semaphore_mem>>) src(%dma_wait3A_286 : memref<3264xf32, #tpu.memory_space<vmem>>) dst(%dma_wait3A_284 : memref<3264xf32, #tpu.memory_space<hbm>>)
      %dma_wait3A_287 = arith.constant 0 : i32
      %dma_wait3A_288 = tpu.memref_slice %arg14[%dma_wait3A_287] : memref<3280xf32, #tpu.memory_space<vmem>> -> memref<3264xf32, #tpu.memory_space<vmem>>
      %dma_wait3A_289 = tpu.memref_slice %arg7[%multiple_of3A] : memref<88064xf32, #tpu.memory_space<hbm>> -> memref<3264xf32, #tpu.memory_space<hbm>>
      %dma_wait3A_290 = tpu.memref_slice %arg7[%multiple_of3A] : memref<88064xf32, #tpu.memory_space<hbm>> -> memref<3264xf32, #tpu.memory_space<hbm>>
      %dma_wait3A_291 = arith.constant 0 : i32
      %dma_wait3A_292 = tpu.memref_slice %arg14[%dma_wait3A_291] : memref<3280xf32, #tpu.memory_space<vmem>> -> memref<3264xf32, #tpu.memory_space<vmem>>
      tpu.wait_dma2 semaphore(%arg16 : memref<!tpu.dma_semaphore, #tpu.memory_space<semaphore_mem>>) src(%dma_wait3A_292 : memref<3264xf32, #tpu.memory_space<vmem>>) dst(%dma_wait3A_290 : memref<3264xf32, #tpu.memory_space<hbm>>)
      %dma_wait3A_293 = arith.constant 0 : i32
      %dma_wait3A_294 = tpu.memref_slice %arg15[%dma_wait3A_293] : memref<3280xf32, #tpu.memory_space<vmem>> -> memref<3264xf32, #tpu.memory_space<vmem>>
      %dma_wait3A_295 = tpu.memref_slice %arg8[%multiple_of3A] : memref<88064xf32, #tpu.memory_space<hbm>> -> memref<3264xf32, #tpu.memory_space<hbm>>
      %dma_wait3A_296 = tpu.memref_slice %arg8[%multiple_of3A] : memref<88064xf32, #tpu.memory_space<hbm>> -> memref<3264xf32, #tpu.memory_space<hbm>>
      %dma_wait3A_297 = arith.constant 0 : i32
      %dma_wait3A_298 = tpu.memref_slice %arg15[%dma_wait3A_297] : memref<3280xf32, #tpu.memory_space<vmem>> -> memref<3264xf32, #tpu.memory_space<vmem>>
      tpu.wait_dma2 semaphore(%arg16 : memref<!tpu.dma_semaphore, #tpu.memory_space<semaphore_mem>>) src(%dma_wait3A_298 : memref<3264xf32, #tpu.memory_space<vmem>>) dst(%dma_wait3A_296 : memref<3264xf32, #tpu.memory_space<hbm>>)
    } else {
    }
    %convert_element_type3A_223 = arith.extui %or3A : i1 to i32
    %cond3A_224 = arith.constant 0 : i32
    %cond3A_225 = arith.cmpi ne, %convert_element_type3A_223, %cond3A_224 : i32
    scf.if %cond3A_225 {
      %dma_start3A = arith.constant 0 : i32
      %dma_start3A_229 = tpu.memref_slice %arg11[%dma_start3A] : memref<3280xi32, #tpu.memory_space<vmem>> -> memref<2048xi32, #tpu.memory_space<vmem>>
      %dma_start3A_230 = tpu.memref_slice %arg3[%multiple_of3A] : memref<88064xi32, #tpu.memory_space<hbm>> -> memref<2048xi32, #tpu.memory_space<hbm>>
      %dma_start3A_231 = tpu.memref_slice %arg3[%multiple_of3A] : memref<88064xi32, #tpu.memory_space<hbm>> -> memref<2048xi32, #tpu.memory_space<hbm>>
      %dma_start3A_232 = arith.constant 0 : i32
      %dma_start3A_233 = tpu.memref_slice %arg11[%dma_start3A_232] : memref<3280xi32, #tpu.memory_space<vmem>> -> memref<2048xi32, #tpu.memory_space<vmem>>
      tpu.enqueue_dma source(%dma_start3A_233 : memref<2048xi32, #tpu.memory_space<vmem>>) target(%dma_start3A_231 : memref<2048xi32, #tpu.memory_space<hbm>>) target_semaphore(%arg16 : memref<!tpu.dma_semaphore, #tpu.memory_space<semaphore_mem>>)
      %dma_start3A_234 = arith.constant 0 : i32
      %dma_start3A_235 = tpu.memref_slice %arg10[%dma_start3A_234] : memref<3280xf32, #tpu.memory_space<vmem>> -> memref<2048xf32, #tpu.memory_space<vmem>>
      %dma_start3A_236 = tpu.memref_slice %arg4[%multiple_of3A] : memref<88064xf32, #tpu.memory_space<hbm>> -> memref<2048xf32, #tpu.memory_space<hbm>>
      %dma_start3A_237 = tpu.memref_slice %arg4[%multiple_of3A] : memref<88064xf32, #tpu.memory_space<hbm>> -> memref<2048xf32, #tpu.memory_space<hbm>>
      %dma_start3A_238 = arith.constant 0 : i32
      %dma_start3A_239 = tpu.memref_slice %arg10[%dma_start3A_238] : memref<3280xf32, #tpu.memory_space<vmem>> -> memref<2048xf32, #tpu.memory_space<vmem>>
      tpu.enqueue_dma source(%dma_start3A_239 : memref<2048xf32, #tpu.memory_space<vmem>>) target(%dma_start3A_237 : memref<2048xf32, #tpu.memory_space<hbm>>) target_semaphore(%arg16 : memref<!tpu.dma_semaphore, #tpu.memory_space<semaphore_mem>>)
      %dma_start3A_240 = arith.constant 0 : i32
      %dma_start3A_241 = tpu.memref_slice %arg12[%dma_start3A_240] : memref<3280xf32, #tpu.memory_space<vmem>> -> memref<2048xf32, #tpu.memory_space<vmem>>
      %dma_start3A_242 = tpu.memref_slice %arg5[%multiple_of3A] : memref<88064xf32, #tpu.memory_space<hbm>> -> memref<2048xf32, #tpu.memory_space<hbm>>
      %dma_start3A_243 = tpu.memref_slice %arg5[%multiple_of3A] : memref<88064xf32, #tpu.memory_space<hbm>> -> memref<2048xf32, #tpu.memory_space<hbm>>
      %dma_start3A_244 = arith.constant 0 : i32
      %dma_start3A_245 = tpu.memref_slice %arg12[%dma_start3A_244] : memref<3280xf32, #tpu.memory_space<vmem>> -> memref<2048xf32, #tpu.memory_space<vmem>>
      tpu.enqueue_dma source(%dma_start3A_245 : memref<2048xf32, #tpu.memory_space<vmem>>) target(%dma_start3A_243 : memref<2048xf32, #tpu.memory_space<hbm>>) target_semaphore(%arg16 : memref<!tpu.dma_semaphore, #tpu.memory_space<semaphore_mem>>)
      %dma_start3A_246 = arith.constant 0 : i32
      %dma_start3A_247 = tpu.memref_slice %arg13[%dma_start3A_246] : memref<3280xf32, #tpu.memory_space<vmem>> -> memref<2048xf32, #tpu.memory_space<vmem>>
      %dma_start3A_248 = tpu.memref_slice %arg6[%multiple_of3A] : memref<88064xf32, #tpu.memory_space<hbm>> -> memref<2048xf32, #tpu.memory_space<hbm>>
      %dma_start3A_249 = tpu.memref_slice %arg6[%multiple_of3A] : memref<88064xf32, #tpu.memory_space<hbm>> -> memref<2048xf32, #tpu.memory_space<hbm>>
      %dma_start3A_250 = arith.constant 0 : i32
      %dma_start3A_251 = tpu.memref_slice %arg13[%dma_start3A_250] : memref<3280xf32, #tpu.memory_space<vmem>> -> memref<2048xf32, #tpu.memory_space<vmem>>
      tpu.enqueue_dma source(%dma_start3A_251 : memref<2048xf32, #tpu.memory_space<vmem>>) target(%dma_start3A_249 : memref<2048xf32, #tpu.memory_space<hbm>>) target_semaphore(%arg16 : memref<!tpu.dma_semaphore, #tpu.memory_space<semaphore_mem>>)
      %dma_start3A_252 = arith.constant 0 : i32
      %dma_start3A_253 = tpu.memref_slice %arg14[%dma_start3A_252] : memref<3280xf32, #tpu.memory_space<vmem>> -> memref<2048xf32, #tpu.memory_space<vmem>>
      %dma_start3A_254 = tpu.memref_slice %arg7[%multiple_of3A] : memref<88064xf32, #tpu.memory_space<hbm>> -> memref<2048xf32, #tpu.memory_space<hbm>>
      %dma_start3A_255 = tpu.memref_slice %arg7[%multiple_of3A] : memref<88064xf32, #tpu.memory_space<hbm>> -> memref<2048xf32, #tpu.memory_space<hbm>>
      %dma_start3A_256 = arith.constant 0 : i32
      %dma_start3A_257 = tpu.memref_slice %arg14[%dma_start3A_256] : memref<3280xf32, #tpu.memory_space<vmem>> -> memref<2048xf32, #tpu.memory_space<vmem>>
      tpu.enqueue_dma source(%dma_start3A_257 : memref<2048xf32, #tpu.memory_space<vmem>>) target(%dma_start3A_255 : memref<2048xf32, #tpu.memory_space<hbm>>) target_semaphore(%arg16 : memref<!tpu.dma_semaphore, #tpu.memory_space<semaphore_mem>>)
      %dma_start3A_258 = arith.constant 0 : i32
      %dma_start3A_259 = tpu.memref_slice %arg15[%dma_start3A_258] : memref<3280xf32, #tpu.memory_space<vmem>> -> memref<2048xf32, #tpu.memory_space<vmem>>
      %dma_start3A_260 = tpu.memref_slice %arg8[%multiple_of3A] : memref<88064xf32, #tpu.memory_space<hbm>> -> memref<2048xf32, #tpu.memory_space<hbm>>
      %dma_start3A_261 = tpu.memref_slice %arg8[%multiple_of3A] : memref<88064xf32, #tpu.memory_space<hbm>> -> memref<2048xf32, #tpu.memory_space<hbm>>
      %dma_start3A_262 = arith.constant 0 : i32
      %dma_start3A_263 = tpu.memref_slice %arg15[%dma_start3A_262] : memref<3280xf32, #tpu.memory_space<vmem>> -> memref<2048xf32, #tpu.memory_space<vmem>>
      tpu.enqueue_dma source(%dma_start3A_263 : memref<2048xf32, #tpu.memory_space<vmem>>) target(%dma_start3A_261 : memref<2048xf32, #tpu.memory_space<hbm>>) target_semaphore(%arg16 : memref<!tpu.dma_semaphore, #tpu.memory_space<semaphore_mem>>)
      %dma_wait3A = arith.constant 0 : i32
      %dma_wait3A_264 = tpu.memref_slice %arg11[%dma_wait3A] : memref<3280xi32, #tpu.memory_space<vmem>> -> memref<2048xi32, #tpu.memory_space<vmem>>
      %dma_wait3A_265 = tpu.memref_slice %arg3[%multiple_of3A] : memref<88064xi32, #tpu.memory_space<hbm>> -> memref<2048xi32, #tpu.memory_space<hbm>>
      %dma_wait3A_266 = tpu.memref_slice %arg3[%multiple_of3A] : memref<88064xi32, #tpu.memory_space<hbm>> -> memref<2048xi32, #tpu.memory_space<hbm>>
      %dma_wait3A_267 = arith.constant 0 : i32
      %dma_wait3A_268 = tpu.memref_slice %arg11[%dma_wait3A_267] : memref<3280xi32, #tpu.memory_space<vmem>> -> memref<2048xi32, #tpu.memory_space<vmem>>
      tpu.wait_dma2 semaphore(%arg16 : memref<!tpu.dma_semaphore, #tpu.memory_space<semaphore_mem>>) src(%dma_wait3A_268 : memref<2048xi32, #tpu.memory_space<vmem>>) dst(%dma_wait3A_266 : memref<2048xi32, #tpu.memory_space<hbm>>)
      %dma_wait3A_269 = arith.constant 0 : i32
      %dma_wait3A_270 = tpu.memref_slice %arg10[%dma_wait3A_269] : memref<3280xf32, #tpu.memory_space<vmem>> -> memref<2048xf32, #tpu.memory_space<vmem>>
      %dma_wait3A_271 = tpu.memref_slice %arg4[%multiple_of3A] : memref<88064xf32, #tpu.memory_space<hbm>> -> memref<2048xf32, #tpu.memory_space<hbm>>
      %dma_wait3A_272 = tpu.memref_slice %arg4[%multiple_of3A] : memref<88064xf32, #tpu.memory_space<hbm>> -> memref<2048xf32, #tpu.memory_space<hbm>>
      %dma_wait3A_273 = arith.constant 0 : i32
      %dma_wait3A_274 = tpu.memref_slice %arg10[%dma_wait3A_273] : memref<3280xf32, #tpu.memory_space<vmem>> -> memref<2048xf32, #tpu.memory_space<vmem>>
      tpu.wait_dma2 semaphore(%arg16 : memref<!tpu.dma_semaphore, #tpu.memory_space<semaphore_mem>>) src(%dma_wait3A_274 : memref<2048xf32, #tpu.memory_space<vmem>>) dst(%dma_wait3A_272 : memref<2048xf32, #tpu.memory_space<hbm>>)
      %dma_wait3A_275 = arith.constant 0 : i32
      %dma_wait3A_276 = tpu.memref_slice %arg12[%dma_wait3A_275] : memref<3280xf32, #tpu.memory_space<vmem>> -> memref<2048xf32, #tpu.memory_space<vmem>>
      %dma_wait3A_277 = tpu.memref_slice %arg5[%multiple_of3A] : memref<88064xf32, #tpu.memory_space<hbm>> -> memref<2048xf32, #tpu.memory_space<hbm>>
      %dma_wait3A_278 = tpu.memref_slice %arg5[%multiple_of3A] : memref<88064xf32, #tpu.memory_space<hbm>> -> memref<2048xf32, #tpu.memory_space<hbm>>
      %dma_wait3A_279 = arith.constant 0 : i32
      %dma_wait3A_280 = tpu.memref_slice %arg12[%dma_wait3A_279] : memref<3280xf32, #tpu.memory_space<vmem>> -> memref<2048xf32, #tpu.memory_space<vmem>>
      tpu.wait_dma2 semaphore(%arg16 : memref<!tpu.dma_semaphore, #tpu.memory_space<semaphore_mem>>) src(%dma_wait3A_280 : memref<2048xf32, #tpu.memory_space<vmem>>) dst(%dma_wait3A_278 : memref<2048xf32, #tpu.memory_space<hbm>>)
      %dma_wait3A_281 = arith.constant 0 : i32
      %dma_wait3A_282 = tpu.memref_slice %arg13[%dma_wait3A_281] : memref<3280xf32, #tpu.memory_space<vmem>> -> memref<2048xf32, #tpu.memory_space<vmem>>
      %dma_wait3A_283 = tpu.memref_slice %arg6[%multiple_of3A] : memref<88064xf32, #tpu.memory_space<hbm>> -> memref<2048xf32, #tpu.memory_space<hbm>>
      %dma_wait3A_284 = tpu.memref_slice %arg6[%multiple_of3A] : memref<88064xf32, #tpu.memory_space<hbm>> -> memref<2048xf32, #tpu.memory_space<hbm>>
      %dma_wait3A_285 = arith.constant 0 : i32
      %dma_wait3A_286 = tpu.memref_slice %arg13[%dma_wait3A_285] : memref<3280xf32, #tpu.memory_space<vmem>> -> memref<2048xf32, #tpu.memory_space<vmem>>
      tpu.wait_dma2 semaphore(%arg16 : memref<!tpu.dma_semaphore, #tpu.memory_space<semaphore_mem>>) src(%dma_wait3A_286 : memref<2048xf32, #tpu.memory_space<vmem>>) dst(%dma_wait3A_284 : memref<2048xf32, #tpu.memory_space<hbm>>)
      %dma_wait3A_287 = arith.constant 0 : i32
      %dma_wait3A_288 = tpu.memref_slice %arg14[%dma_wait3A_287] : memref<3280xf32, #tpu.memory_space<vmem>> -> memref<2048xf32, #tpu.memory_space<vmem>>
      %dma_wait3A_289 = tpu.memref_slice %arg7[%multiple_of3A] : memref<88064xf32, #tpu.memory_space<hbm>> -> memref<2048xf32, #tpu.memory_space<hbm>>
      %dma_wait3A_290 = tpu.memref_slice %arg7[%multiple_of3A] : memref<88064xf32, #tpu.memory_space<hbm>> -> memref<2048xf32, #tpu.memory_space<hbm>>
      %dma_wait3A_291 = arith.constant 0 : i32
      %dma_wait3A_292 = tpu.memref_slice %arg14[%dma_wait3A_291] : memref<3280xf32, #tpu.memory_space<vmem>> -> memref<2048xf32, #tpu.memory_space<vmem>>
      tpu.wait_dma2 semaphore(%arg16 : memref<!tpu.dma_semaphore, #tpu.memory_space<semaphore_mem>>) src(%dma_wait3A_292 : memref<2048xf32, #tpu.memory_space<vmem>>) dst(%dma_wait3A_290 : memref<2048xf32, #tpu.memory_space<hbm>>)
      %dma_wait3A_293 = arith.constant 0 : i32
      %dma_wait3A_294 = tpu.memref_slice %arg15[%dma_wait3A_293] : memref<3280xf32, #tpu.memory_space<vmem>> -> memref<2048xf32, #tpu.memory_space<vmem>>
      %dma_wait3A_295 = tpu.memref_slice %arg8[%multiple_of3A] : memref<88064xf32, #tpu.memory_space<hbm>> -> memref<2048xf32, #tpu.memory_space<hbm>>
      %dma_wait3A_296 = tpu.memref_slice %arg8[%multiple_of3A] : memref<88064xf32, #tpu.memory_space<hbm>> -> memref<2048xf32, #tpu.memory_space<hbm>>
      %dma_wait3A_297 = arith.constant 0 : i32
      %dma_wait3A_298 = tpu.memref_slice %arg15[%dma_wait3A_297] : memref<3280xf32, #tpu.memory_space<vmem>> -> memref<2048xf32, #tpu.memory_space<vmem>>
      tpu.wait_dma2 semaphore(%arg16 : memref<!tpu.dma_semaphore, #tpu.memory_space<semaphore_mem>>) src(%dma_wait3A_298 : memref<2048xf32, #tpu.memory_space<vmem>>) dst(%dma_wait3A_296 : memref<2048xf32, #tpu.memory_space<hbm>>)
    } else {
    }
    %convert_element_type3A_226 = arith.extui %eq3A_216 : i1 to i32
    %cond3A_227 = arith.constant 0 : i32
    %cond3A_228 = arith.cmpi ne, %convert_element_type3A_226, %cond3A_227 : i32
    scf.if %cond3A_228 {
      %dma_start3A = arith.constant 0 : i32
      %dma_start3A_229 = tpu.memref_slice %arg11[%dma_start3A] : memref<3280xi32, #tpu.memory_space<vmem>> -> memref<1536xi32, #tpu.memory_space<vmem>>
      %dma_start3A_230 = tpu.memref_slice %arg3[%multiple_of3A] : memref<88064xi32, #tpu.memory_space<hbm>> -> memref<1536xi32, #tpu.memory_space<hbm>>
      %dma_start3A_231 = tpu.memref_slice %arg3[%multiple_of3A] : memref<88064xi32, #tpu.memory_space<hbm>> -> memref<1536xi32, #tpu.memory_space<hbm>>
      %dma_start3A_232 = arith.constant 0 : i32
      %dma_start3A_233 = tpu.memref_slice %arg11[%dma_start3A_232] : memref<3280xi32, #tpu.memory_space<vmem>> -> memref<1536xi32, #tpu.memory_space<vmem>>
      tpu.enqueue_dma source(%dma_start3A_233 : memref<1536xi32, #tpu.memory_space<vmem>>) target(%dma_start3A_231 : memref<1536xi32, #tpu.memory_space<hbm>>) target_semaphore(%arg16 : memref<!tpu.dma_semaphore, #tpu.memory_space<semaphore_mem>>)
      %dma_start3A_234 = arith.constant 0 : i32
      %dma_start3A_235 = tpu.memref_slice %arg10[%dma_start3A_234] : memref<3280xf32, #tpu.memory_space<vmem>> -> memref<1536xf32, #tpu.memory_space<vmem>>
      %dma_start3A_236 = tpu.memref_slice %arg4[%multiple_of3A] : memref<88064xf32, #tpu.memory_space<hbm>> -> memref<1536xf32, #tpu.memory_space<hbm>>
      %dma_start3A_237 = tpu.memref_slice %arg4[%multiple_of3A] : memref<88064xf32, #tpu.memory_space<hbm>> -> memref<1536xf32, #tpu.memory_space<hbm>>
      %dma_start3A_238 = arith.constant 0 : i32
      %dma_start3A_239 = tpu.memref_slice %arg10[%dma_start3A_238] : memref<3280xf32, #tpu.memory_space<vmem>> -> memref<1536xf32, #tpu.memory_space<vmem>>
      tpu.enqueue_dma source(%dma_start3A_239 : memref<1536xf32, #tpu.memory_space<vmem>>) target(%dma_start3A_237 : memref<1536xf32, #tpu.memory_space<hbm>>) target_semaphore(%arg16 : memref<!tpu.dma_semaphore, #tpu.memory_space<semaphore_mem>>)
      %dma_start3A_240 = arith.constant 0 : i32
      %dma_start3A_241 = tpu.memref_slice %arg12[%dma_start3A_240] : memref<3280xf32, #tpu.memory_space<vmem>> -> memref<1536xf32, #tpu.memory_space<vmem>>
      %dma_start3A_242 = tpu.memref_slice %arg5[%multiple_of3A] : memref<88064xf32, #tpu.memory_space<hbm>> -> memref<1536xf32, #tpu.memory_space<hbm>>
      %dma_start3A_243 = tpu.memref_slice %arg5[%multiple_of3A] : memref<88064xf32, #tpu.memory_space<hbm>> -> memref<1536xf32, #tpu.memory_space<hbm>>
      %dma_start3A_244 = arith.constant 0 : i32
      %dma_start3A_245 = tpu.memref_slice %arg12[%dma_start3A_244] : memref<3280xf32, #tpu.memory_space<vmem>> -> memref<1536xf32, #tpu.memory_space<vmem>>
      tpu.enqueue_dma source(%dma_start3A_245 : memref<1536xf32, #tpu.memory_space<vmem>>) target(%dma_start3A_243 : memref<1536xf32, #tpu.memory_space<hbm>>) target_semaphore(%arg16 : memref<!tpu.dma_semaphore, #tpu.memory_space<semaphore_mem>>)
      %dma_start3A_246 = arith.constant 0 : i32
      %dma_start3A_247 = tpu.memref_slice %arg13[%dma_start3A_246] : memref<3280xf32, #tpu.memory_space<vmem>> -> memref<1536xf32, #tpu.memory_space<vmem>>
      %dma_start3A_248 = tpu.memref_slice %arg6[%multiple_of3A] : memref<88064xf32, #tpu.memory_space<hbm>> -> memref<1536xf32, #tpu.memory_space<hbm>>
      %dma_start3A_249 = tpu.memref_slice %arg6[%multiple_of3A] : memref<88064xf32, #tpu.memory_space<hbm>> -> memref<1536xf32, #tpu.memory_space<hbm>>
      %dma_start3A_250 = arith.constant 0 : i32
      %dma_start3A_251 = tpu.memref_slice %arg13[%dma_start3A_250] : memref<3280xf32, #tpu.memory_space<vmem>> -> memref<1536xf32, #tpu.memory_space<vmem>>
      tpu.enqueue_dma source(%dma_start3A_251 : memref<1536xf32, #tpu.memory_space<vmem>>) target(%dma_start3A_249 : memref<1536xf32, #tpu.memory_space<hbm>>) target_semaphore(%arg16 : memref<!tpu.dma_semaphore, #tpu.memory_space<semaphore_mem>>)
      %dma_start3A_252 = arith.constant 0 : i32
      %dma_start3A_253 = tpu.memref_slice %arg14[%dma_start3A_252] : memref<3280xf32, #tpu.memory_space<vmem>> -> memref<1536xf32, #tpu.memory_space<vmem>>
      %dma_start3A_254 = tpu.memref_slice %arg7[%multiple_of3A] : memref<88064xf32, #tpu.memory_space<hbm>> -> memref<1536xf32, #tpu.memory_space<hbm>>
      %dma_start3A_255 = tpu.memref_slice %arg7[%multiple_of3A] : memref<88064xf32, #tpu.memory_space<hbm>> -> memref<1536xf32, #tpu.memory_space<hbm>>
      %dma_start3A_256 = arith.constant 0 : i32
      %dma_start3A_257 = tpu.memref_slice %arg14[%dma_start3A_256] : memref<3280xf32, #tpu.memory_space<vmem>> -> memref<1536xf32, #tpu.memory_space<vmem>>
      tpu.enqueue_dma source(%dma_start3A_257 : memref<1536xf32, #tpu.memory_space<vmem>>) target(%dma_start3A_255 : memref<1536xf32, #tpu.memory_space<hbm>>) target_semaphore(%arg16 : memref<!tpu.dma_semaphore, #tpu.memory_space<semaphore_mem>>)
      %dma_start3A_258 = arith.constant 0 : i32
      %dma_start3A_259 = tpu.memref_slice %arg15[%dma_start3A_258] : memref<3280xf32, #tpu.memory_space<vmem>> -> memref<1536xf32, #tpu.memory_space<vmem>>
      %dma_start3A_260 = tpu.memref_slice %arg8[%multiple_of3A] : memref<88064xf32, #tpu.memory_space<hbm>> -> memref<1536xf32, #tpu.memory_space<hbm>>
      %dma_start3A_261 = tpu.memref_slice %arg8[%multiple_of3A] : memref<88064xf32, #tpu.memory_space<hbm>> -> memref<1536xf32, #tpu.memory_space<hbm>>
      %dma_start3A_262 = arith.constant 0 : i32
      %dma_start3A_263 = tpu.memref_slice %arg15[%dma_start3A_262] : memref<3280xf32, #tpu.memory_space<vmem>> -> memref<1536xf32, #tpu.memory_space<vmem>>
      tpu.enqueue_dma source(%dma_start3A_263 : memref<1536xf32, #tpu.memory_space<vmem>>) target(%dma_start3A_261 : memref<1536xf32, #tpu.memory_space<hbm>>) target_semaphore(%arg16 : memref<!tpu.dma_semaphore, #tpu.memory_space<semaphore_mem>>)
      %dma_wait3A = arith.constant 0 : i32
      %dma_wait3A_264 = tpu.memref_slice %arg11[%dma_wait3A] : memref<3280xi32, #tpu.memory_space<vmem>> -> memref<1536xi32, #tpu.memory_space<vmem>>
      %dma_wait3A_265 = tpu.memref_slice %arg3[%multiple_of3A] : memref<88064xi32, #tpu.memory_space<hbm>> -> memref<1536xi32, #tpu.memory_space<hbm>>
      %dma_wait3A_266 = tpu.memref_slice %arg3[%multiple_of3A] : memref<88064xi32, #tpu.memory_space<hbm>> -> memref<1536xi32, #tpu.memory_space<hbm>>
      %dma_wait3A_267 = arith.constant 0 : i32
      %dma_wait3A_268 = tpu.memref_slice %arg11[%dma_wait3A_267] : memref<3280xi32, #tpu.memory_space<vmem>> -> memref<1536xi32, #tpu.memory_space<vmem>>
      tpu.wait_dma2 semaphore(%arg16 : memref<!tpu.dma_semaphore, #tpu.memory_space<semaphore_mem>>) src(%dma_wait3A_268 : memref<1536xi32, #tpu.memory_space<vmem>>) dst(%dma_wait3A_266 : memref<1536xi32, #tpu.memory_space<hbm>>)
      %dma_wait3A_269 = arith.constant 0 : i32
      %dma_wait3A_270 = tpu.memref_slice %arg10[%dma_wait3A_269] : memref<3280xf32, #tpu.memory_space<vmem>> -> memref<1536xf32, #tpu.memory_space<vmem>>
      %dma_wait3A_271 = tpu.memref_slice %arg4[%multiple_of3A] : memref<88064xf32, #tpu.memory_space<hbm>> -> memref<1536xf32, #tpu.memory_space<hbm>>
      %dma_wait3A_272 = tpu.memref_slice %arg4[%multiple_of3A] : memref<88064xf32, #tpu.memory_space<hbm>> -> memref<1536xf32, #tpu.memory_space<hbm>>
      %dma_wait3A_273 = arith.constant 0 : i32
      %dma_wait3A_274 = tpu.memref_slice %arg10[%dma_wait3A_273] : memref<3280xf32, #tpu.memory_space<vmem>> -> memref<1536xf32, #tpu.memory_space<vmem>>
      tpu.wait_dma2 semaphore(%arg16 : memref<!tpu.dma_semaphore, #tpu.memory_space<semaphore_mem>>) src(%dma_wait3A_274 : memref<1536xf32, #tpu.memory_space<vmem>>) dst(%dma_wait3A_272 : memref<1536xf32, #tpu.memory_space<hbm>>)
      %dma_wait3A_275 = arith.constant 0 : i32
      %dma_wait3A_276 = tpu.memref_slice %arg12[%dma_wait3A_275] : memref<3280xf32, #tpu.memory_space<vmem>> -> memref<1536xf32, #tpu.memory_space<vmem>>
      %dma_wait3A_277 = tpu.memref_slice %arg5[%multiple_of3A] : memref<88064xf32, #tpu.memory_space<hbm>> -> memref<1536xf32, #tpu.memory_space<hbm>>
      %dma_wait3A_278 = tpu.memref_slice %arg5[%multiple_of3A] : memref<88064xf32, #tpu.memory_space<hbm>> -> memref<1536xf32, #tpu.memory_space<hbm>>
      %dma_wait3A_279 = arith.constant 0 : i32
      %dma_wait3A_280 = tpu.memref_slice %arg12[%dma_wait3A_279] : memref<3280xf32, #tpu.memory_space<vmem>> -> memref<1536xf32, #tpu.memory_space<vmem>>
      tpu.wait_dma2 semaphore(%arg16 : memref<!tpu.dma_semaphore, #tpu.memory_space<semaphore_mem>>) src(%dma_wait3A_280 : memref<1536xf32, #tpu.memory_space<vmem>>) dst(%dma_wait3A_278 : memref<1536xf32, #tpu.memory_space<hbm>>)
      %dma_wait3A_281 = arith.constant 0 : i32
      %dma_wait3A_282 = tpu.memref_slice %arg13[%dma_wait3A_281] : memref<3280xf32, #tpu.memory_space<vmem>> -> memref<1536xf32, #tpu.memory_space<vmem>>
      %dma_wait3A_283 = tpu.memref_slice %arg6[%multiple_of3A] : memref<88064xf32, #tpu.memory_space<hbm>> -> memref<1536xf32, #tpu.memory_space<hbm>>
      %dma_wait3A_284 = tpu.memref_slice %arg6[%multiple_of3A] : memref<88064xf32, #tpu.memory_space<hbm>> -> memref<1536xf32, #tpu.memory_space<hbm>>
      %dma_wait3A_285 = arith.constant 0 : i32
      %dma_wait3A_286 = tpu.memref_slice %arg13[%dma_wait3A_285] : memref<3280xf32, #tpu.memory_space<vmem>> -> memref<1536xf32, #tpu.memory_space<vmem>>
      tpu.wait_dma2 semaphore(%arg16 : memref<!tpu.dma_semaphore, #tpu.memory_space<semaphore_mem>>) src(%dma_wait3A_286 : memref<1536xf32, #tpu.memory_space<vmem>>) dst(%dma_wait3A_284 : memref<1536xf32, #tpu.memory_space<hbm>>)
      %dma_wait3A_287 = arith.constant 0 : i32
      %dma_wait3A_288 = tpu.memref_slice %arg14[%dma_wait3A_287] : memref<3280xf32, #tpu.memory_space<vmem>> -> memref<1536xf32, #tpu.memory_space<vmem>>
      %dma_wait3A_289 = tpu.memref_slice %arg7[%multiple_of3A] : memref<88064xf32, #tpu.memory_space<hbm>> -> memref<1536xf32, #tpu.memory_space<hbm>>
      %dma_wait3A_290 = tpu.memref_slice %arg7[%multiple_of3A] : memref<88064xf32, #tpu.memory_space<hbm>> -> memref<1536xf32, #tpu.memory_space<hbm>>
      %dma_wait3A_291 = arith.constant 0 : i32
      %dma_wait3A_292 = tpu.memref_slice %arg14[%dma_wait3A_291] : memref<3280xf32, #tpu.memory_space<vmem>> -> memref<1536xf32, #tpu.memory_space<vmem>>
      tpu.wait_dma2 semaphore(%arg16 : memref<!tpu.dma_semaphore, #tpu.memory_space<semaphore_mem>>) src(%dma_wait3A_292 : memref<1536xf32, #tpu.memory_space<vmem>>) dst(%dma_wait3A_290 : memref<1536xf32, #tpu.memory_space<hbm>>)
      %dma_wait3A_293 = arith.constant 0 : i32
      %dma_wait3A_294 = tpu.memref_slice %arg15[%dma_wait3A_293] : memref<3280xf32, #tpu.memory_space<vmem>> -> memref<1536xf32, #tpu.memory_space<vmem>>
      %dma_wait3A_295 = tpu.memref_slice %arg8[%multiple_of3A] : memref<88064xf32, #tpu.memory_space<hbm>> -> memref<1536xf32, #tpu.memory_space<hbm>>
      %dma_wait3A_296 = tpu.memref_slice %arg8[%multiple_of3A] : memref<88064xf32, #tpu.memory_space<hbm>> -> memref<1536xf32, #tpu.memory_space<hbm>>
      %dma_wait3A_297 = arith.constant 0 : i32
      %dma_wait3A_298 = tpu.memref_slice %arg15[%dma_wait3A_297] : memref<3280xf32, #tpu.memory_space<vmem>> -> memref<1536xf32, #tpu.memory_space<vmem>>
      tpu.wait_dma2 semaphore(%arg16 : memref<!tpu.dma_semaphore, #tpu.memory_space<semaphore_mem>>) src(%dma_wait3A_298 : memref<1536xf32, #tpu.memory_space<vmem>>) dst(%dma_wait3A_296 : memref<1536xf32, #tpu.memory_space<hbm>>)
    } else {
    }
    return
  }
}

</mosaic_0001>

<sc_bundles>
// kernel: kernel.3.cloned.1.call-start
scs
__scs_entry_jumppad:
0x0: {  	(pc) =	sbr.rel $0x88, $3  }
0x1: {  	(tag) =	ssettag $0x0;
	lr =	simm.s32 $0x1  }
0x2: {  	[smem:$0x3F9F] =	sst lr;
	_ =	strace $0xD0000000  }
0x3: {  	_ = 	snop  }
0x4: {  	_ = 	snop  }
0x5: {  	_ = 	snop  }
0x6: {  	_ = 	snop  }
0x7: {  	_ = 	snop  }
__scs_overlays_trampoline_lowered:
0x8: {  	[smem:$0x3FAE] =	sst s0  }
0x9: {  	[smem:$0x3FAF] =	sst s1  }
0xa: {  	[smem:$0x3FB0] =	sst s2  }
0xb: {  	[smem:$0x3FB1] =	sst s3  }
0xc: {  	[smem:$0x3FB2] =	sst s4  }
0xd: {  	[smem:$0x3FB3] =	sst s5  }
0xe: {  	[smem:$0x3FB4] =	sst s6  }
0xf: {  	[smem:$0x3FB5] =	sst s7  }
0x10: {  	[smem:$0x3FB6] =	sst s8  }
0x11: {  	[smem:$0x3FB7] =	sst s9;
	s0 =	simm.s32 @!p0 $0x0  }
0x12: {  	s1 =	sld [smem:$0x3F9D];
	s0 =	simm.s32 @p0 $0x1  }
0x13: {  	[smem:$0x3FB8] =	sst s0;
	s0 =	simm.s32 @!p1 $0x0  }
0x14: {  	s2 =	sld [smem:$0x3F9C];
	s0 =	simm.s32 @p1 $0x1  }
0x15: {  	[smem:$0x3FB9] =	sst s0;
	s0 =	simm.s32 @!p2 $0x0  }
0x16: {  	s3 =	sld [smem:$0x3FDB];
	s0 =	simm.s32 @p2 $0x1  }
0x17: {  	s4 =	simm.s32 $0x1BF5;
	[smem:$0x3FBB] =	sst s0  }
0x18: {  	s0 =	sld [smem:$0x3F9E];
	_ =	swait.ge [sflag:s4], $0x0  }
0x19: {  	s7 =	sld [smem:$0x3F9F]  }
0x1a: {  	s8 =	sadd.s32 $0xFFFFE003, lr  }
0x1b: {  	s9 =	sadd.s32 $0xFFFFFEF7, lr;
	s5 =	simm.s32 $0xFFFFFFFF;
	p2 =	slt.u32 s8, $0xFFFFF086  }
0x1c: {  	p1 =	slt.u32 s9, $0xF7A;
	s5 =	simm.s32 @!p2 $0x0  }
0x1d: {  	s5 =	simm.s32 @p1 $0x1;
	p0 =	seq.s32 s7, s2  }
0x1e: {  	s7 =	smul.u32 @!p0 $0xF7A, s2;
	p2 =	seq.s32 @!p0 s5, $0x0  }
0x1f: {  	s9 =	smul.u32 $0xF7A, s1;
	s8 =	simm.s32 @!p0 $0x1BF5;
	p2 =	por !p2, p0  }
0x20: {  	[sflag:s8] =	ssyncset.s32 @!p0 $0xFFFFF086;
	s6 =	sadd.s32 @!p0 s3, s7;
	s7 =	simm.s32 @!p0 $0x108  }
0x21: {  	s3 =	sadd.s32 s3, s9;
	s6 =	sadd.s32 @!p0 $0x88, s6;
	s7 =	simm.s32 @p2 $0x1082  }
0x22: {  	[simem:s7], [sflag:s8] =	dma.local @!p0 [hbm:s6], $0xF7A  }
0x23: {  	s9 =	sor.u32 $0xD0000000, s2;
	s6 =	simm.s32 $0x108;
	_ =	swait.ge @!p0 [sflag:s8], $0x0  }
0x24: {  	s3 =	sadd.s32 $0x88, s3;
	s6 =	simm.s32 @!p1 $0x1082;
	[sflag:s4] =	ssyncset.s32 $0xFFFFF086  }
0x25: {  	[simem:s6], [sflag:s4] =	dma.local [hbm:s3], $0xF7A  }
0x26: {  	[smem:$0x3F9F] =	sst s1;
	(tag) =	ssettag s2;
	_ =	strace s9  }
0x27: {  	s1 =	sld [smem:$0x3FAF]  }
0x28: {  	s2 =	sld [smem:$0x3FB0]  }
0x29: {  	s4 =	sld [smem:$0x3FB2]  }
0x2a: {  	p0 =	seq.s32 s5, $0x0;
	s5 =	sld [smem:$0x3FB3]  }
0x2b: {  	s6 =	sld [smem:$0x3FB4]  }
0x2c: {  	s7 =	sld [smem:$0x3FB5]  }
0x2d: {  	s3 =	simm.s32 $0x108;
	s8 =	sld [smem:$0x3FB6]  }
0x2e: {  	s3 =	simm.s32 @!p0 $0x1082;
	s9 =	sld [smem:$0x3FB7]  }
0x2f: {  	lr =	sadd.s32 s0, s3;
	s0 =	sld [smem:$0x3FAE]  }
0x30: {  	s3 =	sld [smem:$0x3FB1]  }
0x31: {  	[smem:$0x3FBA] =	sst s10  }
0x32: {  	s10 =	sld [smem:$0x3FB8];
	_ =	sdelay $0x3  }
0x33: {  	p0 =	seq.s32 s10, $0x1;
	s10 =	sld [smem:$0x3FBA];
	_ =	sdelay $0x3  }
0x34: {  	[smem:$0x3FBA] =	sst s10  }
0x35: {  	s10 =	sld [smem:$0x3FB9];
	_ =	sdelay $0x3  }
0x36: {  	p1 =	seq.s32 s10, $0x1;
	s10 =	sld [smem:$0x3FBA];
	_ =	sdelay $0x3  }
0x37: {  	[smem:$0x3FBA] =	sst s10  }
0x38: {  	s10 =	sld [smem:$0x3FBB]  }
0x39: {  	_ = 	snop;
	(pc) =	sbr.ind lr, $3  }
0x3a: {  	_ = 	snop  }
0x3b: {  	_ = 	snop  }
0x3c: {  	p2 =	seq.s32 s10, $0x1;
	s10 =	sld [smem:$0x3FBA]  }
0x3d: {  	_ =	shalt  }
0x3e: {  	_ =	shalt  }
0x3f: {  	_ =	shalt  }
0x40: {  	_ =	shalt  }
0x41: {  	_ =	shalt  }
0x42: {  	_ =	shalt  }
0x43: {  	_ =	shalt  }
0x44: {  	_ =	shalt  }
0x45: {  	_ =	shalt  }
0x46: {  	_ =	shalt  }
0x47: {  	_ =	shalt  }
0x48: {  	_ =	shalt  }
0x49: {  	_ =	shalt  }
0x4a: {  	_ =	shalt  }
0x4b: {  	_ =	shalt  }
0x4c: {  	_ =	shalt  }
0x4d: {  	_ =	shalt  }
0x4e: {  	_ =	shalt  }
0x4f: {  	_ =	shalt  }
0x50: {  	_ =	shalt  }
0x51: {  	_ =	shalt  }
0x52: {  	_ =	shalt  }
0x53: {  	_ =	shalt  }
0x54: {  	_ =	shalt  }
0x55: {  	_ =	shalt  }
0x56: {  	_ =	shalt  }
0x57: {  	_ =	shalt  }
0x58: {  	_ =	shalt  }
0x59: {  	_ =	shalt  }
0x5a: {  	_ =	shalt  }
0x5b: {  	_ =	shalt  }
0x5c: {  	_ =	shalt  }
0x5d: {  	_ =	shalt  }
0x5e: {  	_ =	shalt  }
0x5f: {  	_ =	shalt  }
0x60: {  	_ =	shalt  }
0x61: {  	_ =	shalt  }
0x62: {  	_ =	shalt  }
0x63: {  	_ =	shalt  }
0x64: {  	_ =	shalt  }
0x65: {  	_ =	shalt  }
0x66: {  	_ =	shalt  }
0x67: {  	_ =	shalt  }
0x68: {  	_ =	shalt  }
0x69: {  	_ =	shalt  }
0x6a: {  	_ =	shalt  }
0x6b: {  	_ =	shalt  }
0x6c: {  	_ =	shalt  }
0x6d: {  	_ =	shalt  }
0x6e: {  	_ =	shalt  }
0x6f: {  	_ =	shalt  }
0x70: {  	_ =	shalt  }
0x71: {  	_ =	shalt  }
0x72: {  	_ =	shalt  }
0x73: {  	_ =	shalt  }
0x74: {  	_ =	shalt  }
0x75: {  	_ =	shalt  }
0x76: {  	_ =	shalt  }
0x77: {  	_ =	shalt  }
0x78: {  	_ =	shalt  }
0x79: {  	_ =	shalt  }
0x7a: {  	_ =	shalt  }
0x7b: {  	_ =	shalt  }
0x7c: {  	_ =	shalt  }
0x7d: {  	_ =	shalt  }
0x7e: {  	_ =	shalt  }
0x7f: {  	_ =	shalt  }
0x80: {  	_ =	shalt  }
0x81: {  	_ =	shalt  }
0x82: {  	_ =	shalt  }
0x83: {  	_ =	shalt  }
0x84: {  	_ =	shalt  }
0x85: {  	_ =	shalt  }
0x86: {  	_ =	shalt  }
0x87: {  	_ =	shalt  }
.Lfunc_end0:
.L_simem_size_0:
called_computation_lowered:
.L_overlay_start_0:
0x88: {  	s2 =	sld [smem:$0x3FD9]  }
0x89: {  	s3 =	sld [smem:$0x3FFE];
	_ =	sdelay $0x1  }
0x8a: {  	s1 =	srdreg.scid  }
0x8b: {  	s0 =	sand.u32 $0x1, s1  }
0x8c: {  	s14 =	sshll.u32 s0, $0xA;
	s2 =	sadd.s32 s3, s2  }
0x8d: {  	s2 =	sadd.s32 s2, s14  }
0x8e: {  	[smem:$0x3FC6] =	sst s2  }
0x8f: {  	_ = 	snop  }
0x90: {  	s2 =	sld [smem:$0x3FD0];
	_ =	sdelay $0x2  }
0x91: {  	s15 =	simm.s32 $0xA;
	s4 =	simm.s32 $0x10  }
0x92: {  	[smem:s4], [sflag:s15] =	dma.local [hbm:s2], $0x1  }
0x93: {  	_ =	swait.eq [sflag:s15], $0x1  }
0x94: {  	[sflag:s15] =	ssyncset.done $0x0  }
0x95: {  	s16 =	sld [smem:$0x11];
	[sflag:s15] =	ssyncadd.s32 $0xFFFFFFFF  }
0x96: {  	s17 =	sld [smem:$0x12];
	(tm) =	ssettm $0x1  }
0x97: {  	s18 =	sld [smem:$0x3FFB];
	_ =	sdelay $0x3  }
0x98: {  	_ =	strace s18  }
0x99: {  	s4 =	sld [smem:$0x3FFC];
	_ =	sdelay $0x3  }
0x9a: {  	_ =	strace s4  }
0x9b: {  	s4 =	sld [smem:$0x3FFD];
	_ =	sdelay $0x3  }
0x9c: {  	_ =	strace s4  }
0x9d: {  	_ =	strace $0x8FFFFFFF  }
0x9e: {  	s19 =	sld [smem:$0x3FDB];
	_ =	sdelay $0x1  }
0x9f: {  	s5 =	simm.s32 $_scs_section_size  }
0xa0: {  	s6 =	simm.s32 $_size__tile_overlayer_lowered;
	s7 =	simm.s32 $_tile_overlayer_lowered  }
0xa1: {  	s22 =	simm.s32 $0x1BFF;
	s21 =	sshll.u32 s7, $0x1;
	s4 =	sadd.s32 s5, s19  }
0xa2: {  	s8 =	simm.s32 $0x0;
	s20 =	sshll.u32 s6, $0x1;
	s6 =	sadd.s32 s21, s4  }
0xa3: {  	[timem:s8], [sflag:s22] =	dma.local [hbm:s6], s20  }
0xa4: {  	_ =	swait.ge [sflag:s22], s20  }
0xa5: {  	s5 =	ssub.s32 $0x0, s20;
	[sflag:s22] =	ssyncset.done $0x0  }
0xa6: {  	[sflag:s22] =	ssyncadd.s32 s5;
	_ =	sdelay $0x1  }
0xa7: {  	s23 =	simm.s32 $0x1B8B  }
0xa8: {  	_ =	swait.ge [sflag:s23], $0x1  }
0xa9: {  	[sflag:s23] =	ssyncset.done $0x0  }
0xaa: {  	s25 =	simm.s32 $0x1B8E;
	s24 =	sld [smem:$0x3FFE];
	[sflag:s23] =	ssyncadd.s32 $0xFFFFFFFF  }
0xab: {  	s26 =	simm.s32 $execute0_lowered;
	[smem:$0x3FD2] =	sst s25  }
0xac: {  	s6 =	sshll.u32 s26, $0x1;
	_ =	strace $0x80000046;
	[dreg:$0x1] =	wrdreg $0xFFFFFFFF  }
0xad: {  	s28 =	simm.s32 $_size_execute0_lowered;
	s4 =	sadd.s32 s4, s6;
	[dreg:$0x0] =	wrdreg $0x0  }
0xae: {  	s6 =	sshll.u32 s28, $0x1;
	[dreg:$0x2] =	wrdreg s4  }
0xaf: {  	[dreg:$0x3] =	wrdreg s6  }
0xb0: {  	[dreg:$0x4] =	wrdreg $0xC0  }
0xb1: {  	_ =	task [dreg:s8], $0x5FFFF  }
0xb2: {  	[dreg:$0x1] =	wrdreg $0xFFFFFFFF  }
0xb3: {  	[dreg:$0x0] =	wrdreg $0x60  }
0xb4: {  	[dreg:$0x2] =	wrdreg s16  }
0xb5: {  	[dreg:$0x3] =	wrdreg s17  }
0xb6: {  	[dreg:$0x4] =	wrdreg s24  }
0xb7: {  	[dreg:$0x5] =	wrdreg $0x9  }
0xb8: {  	_ =	task.clear_ibuf [dreg:s8], $0x6FFFF;
	_ =	strace $0x90000046  }
0xb9: {  	s29 =	simm.s32 $0x9;
	_ =	strace $0x80000048  }
0xba: {  	_ =	swait.ge [sflag:s29], $0x1  }
0xbb: {  	[sflag:s29] =	ssyncadd.s32 $0xFFFFFFFF  }
0xbc: {  	_ =	strace $0x90000048  }
0xbd: {  	_ =	sfence  }
0xbe: {  	s30 =	sld [smem:$0x0];
	_ =	sdelay $0x2  }
0xbf: {  	s31 =	sshll.u32 s1, $0xD;
	s1 =	sshrl.u32 s1, $0x2  }
0xc0: {  	s3 =	sand.u32 $0x4000, s31;
	s1 =	sadd.s32 s1, s30  }
0xc1: {  	s0 =	sor.u32 s3, s0;
	s1 =	sshll.u32 s1, $0x11  }
0xc2: {  	s0 =	sor.u32 s1, s0  }
0xc3: {  	s0 =	sadd.s32 $0x8F2B, s0  }
0xc4: {  	[sflag:s0] =	ssyncadd.remote.s32 $0x1  }
0xc5: {  	_ =	sfence.sel $0xFFFF  }
0xc6: {  	[dreg:$0x0] =	wrdreg $0xFFFFFFFF;
	(pc) =	sbr.abs _section_cstart, $3  }
0xc7: {  	[dreg:$0x1] =	wrdreg $0xFFFFFFFF  }
0xc8: {  	_ =	task.clear_ibuf [dreg:s8], $0x2FFFF;
	_ =	strace $0x9FFFFFFF  }
0xc9: {  	(tm) =	ssettm $0x7FFFFFFF  }
tec
execute0_lowered:
.L_overlay_start_1:
0x0: {  	(tag) =	ssettag $0x1  }
0x1: {  	s0 =	stileid.u32;
	s4 =	rddreg [dreg:$0x0]  }
0x2: {  	s1 =	srdreg.scid;
	s5 =	rddreg [dreg:$0x1];
	s13 =	simm.s32 $0xCD0  }
0x3: {  	s6 =	rddreg [dreg:$0x2];
	s19 =	simm.s32 $0xCC0;
	s12 =	simm.s32 $0x2  }
0x4: {  	s14 =	simm.s32 $0x2E00;
	s15 =	simm.s32 $0x3B00;
	s17 =	simm.s32 $0x5500  }
0x5: {  	s18 =	simm.s32 $0x2100;
	s2 =	sshll.u32 s0, $0x1;
	s7 =	sshrl.u32 s0, $0x2  }
0x6: {  	s3 =	sand.u32 $0x1, s1;
	s1 =	rddreg [dreg:$0x3];
	s8 =	smul.u32 $0x5600, s7  }
0x7: {  	s21 =	sand.u32 $0x6, s2;
	s2 =	simm.s32 $0x0;
	s7 =	smul.u32 $0x280, s7  }
0x8: {  	s22 =	sor.u32 s3, s21;
	[smem:$0x7FF] =	sst s2;
	s3 =	ssub.s32 $0x2, s3  }
0x9: {  	p5 =	sgt.u32 s21, $0x3;
	p0 =	seq.s32 s22, $0x1;
	p1 =	seq.s32 s22, $0x4  }
0xa: {  	s16 =	sadd.s32 $0xFFFFFFFB, s22;
	_ =	strace $0x80000047;
	s31 =	sshrl.u32 s3, $0x1  }
0xb: {  	s4 =	sadd.s32 s4, s7;
	s13 =	simm.s32 @!p0 $0x0;
	p0 =	seq.s32 s22, $0x2  }
0xc: {  	p4 =	sne.s32 s22, $0x4;
	s13 =	simm.s32 @p0 $0x19A0;
	p0 =	seq.s32 s22, $0x3  }
0xd: {  	s19 =	simm.s32 @!p1 $0xCD0;
	s11 =	ssub.s32 s3, s31;
	s13 =	simm.s32 @p0 $0x2670  }
0xe: {  	p2 =	sgt.u32 s16, $0x1;
	p0 =	seq.s32 s22, $0x5;
	s13 =	simm.s32 @p1 $0x3340  }
0xf: {  	p1 =	slt.u32 s16, $0x2;
	s13 =	simm.s32 @p0 $0x4000;
	p0 =	seq.s32 s22, $0x6  }
0x10: {  	s19 =	simm.s32 @p1 $0x800;
	s13 =	simm.s32 @p0 $0x4800;
	p0 =	sne.s32 s22, $0x7  }
0x11: {  	s11 =	smax.u32 s11, $0x1;
	s13 =	simm.s32 @!p0 $0x5000;
	s19 =	simm.s32 @!p0 $0x600  }
0x12: {  	s16 =	simm.s32 $0x4800;
	s8 =	sadd.s32 s8, s13;
	s20 =	sadd.s32 s19, s13  }
0x13: {  	s3 =	sshrl.u32 s19, $0x4;
	s23 =	ssub.s32 $0x0, s13;
	s24 =	ssub.s32 $0x4000, s13  }
0x14: {  	s25 =	ssub.s32 $0x5000, s13;
	s26 =	ssub.s32 $0x5400, s13;
	p6 =	sgt.u32 s20, $0x4000  }
0x15: {  	s28 =	ssub.s32 $0x5500, s13;
	s8 =	sshrl.u32 s8, $0x3;
	p0 =	por !p0, !p6  }
0x16: {  	p3 =	slt.u32 s20, $0x5001;
	p1 =	slt.u32 s20, $0x5501;
	p0 =	por !p0, !p0  }
0x17: {  	s10 =	sadd.s32 s8, s6;
	s5 =	sadd.s32 s5, s8;
	s6 =	simm.s32 @!p0 $0x0  }
0x18: {  	s7 =	sadd.s32 $0x4200, s10;
	s6 =	simm.s32 @p0 $0x1;
	p0 =	sgt.u32 s13, $0x3FFF  }
0x19: {  	s8 =	sadd.s32 $0x6E00, s10;
	s9 =	sadd.s32 $0x9A00, s10;
	s13 =	simm.s32 @!p0 $0x0  }
0x1a: {  	[smem:$0x7FA] =	sst s6;
	s13 =	simm.s32 @p0 $0x1;
	p0 =	slt.u32 s20, $0x5401  }
.Ltmp0:
0x1b: {  	v6 =	vlaneseq.u32;
	v2 =	vmov s19;
	s6 =	sadd.s32 $0x1600, s10;
	s19 =	simm.s32 @!p0 $0x0;
	(pc) =	sbr.rel .LBB2_1-.Ltmp0, $4  }
0x1c: {  	v0 =	vand.u32 $0x3, v6;
	s10 =	sadd.s32 $0xC600, s10;
	[smem:$0x7FB] =	sst s13;
	s19 =	simm.s32 @p0 $0x1  }
0x1d: {  	v7 =	vimm.f32 $1.000000000e+08;
	v8 =	vshrl.u32 v6, $0x2;
	v0 =	vadd.s32 $0xFFFFFFFF, v0;
	s20 =	simm.s32 $0x0;
	[smem:$0x7FC] =	sst s19;
	s19 =	simm.s32 @!p1 $0x0  }
0x1e: {  	v8 =	vadd.s32 $0xFFFFFFFF, v8;
	v1 =	vadd.s32 s23, v0;
	v3 =	vadd.s32 s24, v0;
	s13 =	simm.s32 $0x1400;
	p0 =	sne.s32 @p2 s22, $0x7;
	s19 =	simm.s32 @p1 $0x1  }
0x1f: {  	v4 =	vadd.s32 s25, v0;
	v5 =	vadd.s32 s26, v0;
	v6 =	vadd.s32 s28, v0;
	p6 =	por p0, !p2;
	[smem:$0x7FD] =	sst s19;
	s19 =	simm.s32 $0x1  }
.LBB2_17:
0x20: {  	s21 =	simm.s32 @!p6 $0x0;
	s22 =	simm.s32 @!p6 $0x2100  }
0x21: {  	[hbm4b:s5+s21] =	stream.linear.scatter @!p6 [tilespmem:s22], [sflag:$0x1], $0x600, $0x38;
	[tilespmem:$0x6200] =	vst v63  }
0x22: {  	s22 =	simm.s32 @!p6 $0x1400  }
0x23: {  	[hbm4b:s6+s21] =	stream.linear.scatter @!p6 [tilespmem:s22], [sflag:$0x1], $0x600, $0x38;
	[tilespmem:$0x6200] =	vst v63  }
0x24: {  	s22 =	simm.s32 @!p6 $0x2E00  }
0x25: {  	[hbm4b:s7+s21] =	stream.linear.scatter @!p6 [tilespmem:s22], [sflag:$0x1], $0x600, $0x38;
	[tilespmem:$0x6200] =	vst v63  }
0x26: {  	s22 =	simm.s32 @!p6 $0x3B00  }
0x27: {  	[hbm4b:s8+s21] =	stream.linear.scatter @!p6 [tilespmem:s22], [sflag:$0x1], $0x600, $0x38;
	[tilespmem:$0x6200] =	vst v63  }
0x28: {  	s22 =	simm.s32 @!p6 $0x4800  }
0x29: {  	[hbm4b:s9+s21] =	stream.linear.scatter @!p6 [tilespmem:s22], [sflag:$0x1], $0x600, $0x38;
	[tilespmem:$0x6200] =	vst v63  }
0x2a: {  	s22 =	simm.s32 @!p6 $0x5500  }
0x2b: {  	[hbm4b:s10+s21] =	stream.linear.scatter @!p6 [tilespmem:s22], [sflag:$0x1], $0x600, $0x38;
	[tilespmem:$0x6200] =	vst v63  }
0x2c: {  	s21 =	simm.s32 @!p6 $0x1  }
0x2d: {  	_ =	swait.ge @!p6 [sflag:s21], $0x600  }
0x2e: {  	[sflag:s21] =	ssyncset.done @!p6 $0x0  }
0x2f: {  	[sflag:s21] =	ssyncadd.s32 @!p6 $0xFFFFFA00  }
0x30: {  	_ =	swait.ge @!p6 [sflag:s21], $0x600  }
0x31: {  	[sflag:s21] =	ssyncset.done @!p6 $0x0  }
0x32: {  	[sflag:s21] =	ssyncadd.s32 @!p6 $0xFFFFFA00  }
0x33: {  	_ =	swait.ge @!p6 [sflag:s21], $0x600  }
0x34: {  	[sflag:s21] =	ssyncset.done @!p6 $0x0  }
0x35: {  	[sflag:s21] =	ssyncadd.s32 @!p6 $0xFFFFFA00  }
0x36: {  	_ =	swait.ge @!p6 [sflag:s21], $0x600  }
0x37: {  	[sflag:s21] =	ssyncset.done @!p6 $0x0  }
0x38: {  	[sflag:s21] =	ssyncadd.s32 @!p6 $0xFFFFFA00  }
0x39: {  	_ =	swait.ge @!p6 [sflag:s21], $0x600  }
0x3a: {  	[sflag:s21] =	ssyncset.done @!p6 $0x0  }
0x3b: {  	[sflag:s21] =	ssyncadd.s32 @!p6 $0xFFFFFA00  }
0x3c: {  	_ =	swait.ge @!p6 [sflag:s21], $0x600  }
0x3d: {  	[sflag:s21] =	ssyncset.done @!p6 $0x0  }
0x3e: {  	s22 =	simm.s32 @!p2 $0x2100;
	[sflag:s21] =	ssyncadd.s32 @!p6 $0xFFFFFA00;
	s21 =	simm.s32 @!p2 $0x0  }
0x3f: {  	[hbm4b:s5+s21] =	stream.linear.scatter @!p2 [tilespmem:s22], [sflag:$0x1], $0x800, $0x38;
	[tilespmem:$0x6200] =	vst v63  }
0x40: {  	s22 =	simm.s32 @!p2 $0x1400  }
0x41: {  	[hbm4b:s6+s21] =	stream.linear.scatter @!p2 [tilespmem:s22], [sflag:$0x1], $0x800, $0x38;
	[tilespmem:$0x6200] =	vst v63  }
0x42: {  	s22 =	simm.s32 @!p2 $0x2E00  }
0x43: {  	[hbm4b:s7+s21] =	stream.linear.scatter @!p2 [tilespmem:s22], [sflag:$0x1], $0x800, $0x38;
	[tilespmem:$0x6200] =	vst v63  }
0x44: {  	s22 =	simm.s32 @!p2 $0x3B00  }
0x45: {  	[hbm4b:s8+s21] =	stream.linear.scatter @!p2 [tilespmem:s22], [sflag:$0x1], $0x800, $0x38;
	[tilespmem:$0x6200] =	vst v63  }
0x46: {  	s22 =	simm.s32 @!p2 $0x4800  }
0x47: {  	[hbm4b:s9+s21] =	stream.linear.scatter @!p2 [tilespmem:s22], [sflag:$0x1], $0x800, $0x38;
	[tilespmem:$0x6200] =	vst v63  }
0x48: {  	s22 =	simm.s32 @!p2 $0x5500  }
0x49: {  	[hbm4b:s10+s21] =	stream.linear.scatter @!p2 [tilespmem:s22], [sflag:$0x1], $0x800, $0x38;
	[tilespmem:$0x6200] =	vst v63  }
0x4a: {  	s21 =	simm.s32 @!p2 $0x1  }
0x4b: {  	_ =	swait.ge @!p2 [sflag:s21], $0x800  }
0x4c: {  	[sflag:s21] =	ssyncset.done @!p2 $0x0  }
0x4d: {  	[sflag:s21] =	ssyncadd.s32 @!p2 $0xFFFFF800  }
0x4e: {  	_ =	swait.ge @!p2 [sflag:s21], $0x800  }
0x4f: {  	[sflag:s21] =	ssyncset.done @!p2 $0x0  }
0x50: {  	[sflag:s21] =	ssyncadd.s32 @!p2 $0xFFFFF800  }
0x51: {  	_ =	swait.ge @!p2 [sflag:s21], $0x800  }
0x52: {  	[sflag:s21] =	ssyncset.done @!p2 $0x0  }
0x53: {  	[sflag:s21] =	ssyncadd.s32 @!p2 $0xFFFFF800  }
0x54: {  	_ =	swait.ge @!p2 [sflag:s21], $0x800  }
0x55: {  	[sflag:s21] =	ssyncset.done @!p2 $0x0  }
0x56: {  	[sflag:s21] =	ssyncadd.s32 @!p2 $0xFFFFF800  }
0x57: {  	_ =	swait.ge @!p2 [sflag:s21], $0x800  }
0x58: {  	[sflag:s21] =	ssyncset.done @!p2 $0x0  }
0x59: {  	[sflag:s21] =	ssyncadd.s32 @!p2 $0xFFFFF800  }
0x5a: {  	_ =	swait.ge @!p2 [sflag:s21], $0x800  }
0x5b: {  	[sflag:s21] =	ssyncset.done @!p2 $0x0  }
0x5c: {  	[sflag:s21] =	ssyncadd.s32 @!p2 $0xFFFFF800  }
.LBB2_18:
0x5d: {  	s20 =	sadd.s32 $0x1, s20  }
0x5e: {  	p0 =	sne.s32 s20, s11  }
.Ltmp1:
0x5f: {  	_ = 	snop;
	(pc) =	sbr.rel @!p0 .LBB2_19-.Ltmp1, $1  }
0x60: {  	_ =	sdelay $0x3  }
.LBB2_1:
0x61: {  	[tilespmem:s2], [sflag:$0x2] =	stream.linear.gather [hbm4b:s4+s2], $0x1400, $0x38;
	[tilespmem:$0x6200] =	vst v63  }
0x62: {  	p0 =	sne.s32 s3, $0x1  }
.Ltmp2:
0x63: {  	_ = 	snop;
	(pc) =	sbr.rel @!p0 .LBB2_3-.Ltmp2, $4  }
0x64: {  	_ =	swait.ge [sflag:s12], $0x1400  }
0x65: {  	[sflag:s12] =	ssyncset.done $0x0  }
0x66: {  	[sflag:s12] =	ssyncadd.s32 $0xFFFFEC00  }
0x67: {  	s21 =	sadd.s32 $0xFFFFFFFF, s3;
	s22 =	simm.s32 $0x1400;
	[tilespmem:s13+$0x0] =	vst v7  }
.LBB2_2:
0x68: {  	p1 =	sne.s32 s21, $0x1  }
.Ltmp3:
0x69: {  	_ = 	snop;
	(pc) =	sbr.rel @p1 .LBB2_2-.Ltmp3, $3  }
0x6a: {  	_ =	sdelay $0x1  }
0x6b: {  	s21 =	sadd.s32 $0xFFFFFFFF, s21;
	s22 =	sadd.s32 $0x10, s22  }
0x6c: {  	[tilespmem:s22+$0x0] =	vst v7  }
.LBB2_3:
0x6d: {  	s22 =	sld [smem:$0x7FB];
	_ =	sdelay $0x2  }
0x6e: {  	p1 =	seq.s32 s22, $0x1  }
.Ltmp4:
0x6f: {  	_ = 	snop;
	(pc) =	sbr.rel @p1 .LBB2_5-.Ltmp4, $2  }
0x70: {  	_ =	sdelay $0x2  }
0x71: {  	s21 =	simm.s32 $0x0  }
.LBB2_4:
0x72: {  	s22 =	sshra.s32 s21, $0x2  }
0x73: {  	v9 =	vld [tilespmem:s22+$0x0]  }
0x74: {  	v10 =	vld [tilespmem:s22+$0x10]  }
0x75: {  	v11 =	vld [tilespmem:s22+$0x20]  }
0x76: {  	v12 =	vld [tilespmem:s22+$0x30];
	_ =	sdelay $0x4  }
0x77: {  	v13 =	vadd.f32 v11, v9;
	v14 =	vadd.f32 v12, v10;
	_ =	sdelay $0x1  }
0x78: {  	v13 =	vmul.f32 $5.000000000e-01, v13;
	v14 =	vmul.f32 $5.000000000e-01, v14;
	_ =	sdelay $0x1  }
0x79: {  	v15 =	vmul.f32 $1.250000000e-01, v13;
	v16 =	vmul.f32 $1.250000000e-01, v14;
	_ =	sdelay $0x1  }
0x7a: {  	v15 =	vadd.f32 $-5.000000000e-01, v15;
	v16 =	vadd.f32 $-5.000000000e-01, v16;
	_ =	sdelay $0x1  }
0x7b: {  	v15 =	vtrunc.f32 v15;
	v16 =	vtrunc.f32 v16  }
0x7c: {  	v15 =	vcvt.f32.s32 v15;
	v16 =	vcvt.f32.s32 v16;
	_ =	sdelay $0x1  }
0x7d: {  	v17 =	vadd.s32 v0, v15;
	v16 =	vadd.s32 v8, v16  }
0x7e: {  	v17 =	vcvt.s32.f32 v17;
	v18 =	vcvt.s32.f32 v16;
	_ =	sdelay $0x1  }
0x7f: {  	v17 =	vadd.f32 $5.000000000e-01, v17;
	v18 =	vadd.f32 $5.000000000e-01, v18;
	_ =	sdelay $0x1  }
0x80: {  	v17 =	vmul.f32 $8.000000000e+00, v17;
	v18 =	vmul.f32 $8.000000000e+00, v18;
	_ =	sdelay $0x1  }
0x81: {  	v15 =	vadd.s32 v15, v1;
	v9 =	vsub.f32 v17, v9;
	v10 =	vsub.f32 v18, v10  }
0x82: {  	v58 =	vshll.u32 v16, $0x7;
	v11 =	vsub.f32 v11, v17;
	v12 =	vsub.f32 v12, v18  }
0x83: {  	v13 =	vsub.f32 v17, v13;
	v14 =	vsub.f32 v18, v14;
	v19 =	vmin.f32 v9, v10  }
0x84: {  	v20 =	vmin.f32 v11, v12;
	v56 =	vmax.f32 v9, v10;
	v21 =	vmax.f32 v11, v12  }
0x85: {  	v13 =	vand.u32 $0x7FFFFFFF, v13;
	v57 =	vmin.f32 v19, v20;
	v17 =	vmax.f32 v56, v21  }
0x86: {  	v14 =	vand.u32 $0x7FFFFFFF, v14;
	vm0 =	vgt.f32 v57, $0.0e+00;
	vm1 =	vgt.f32 v17, $-1.000000000e+00  }
0x87: {  	v13 =	vmax.f32 v13, v14;
	vm11 =	vle.f32 v17, $6.400000000e+01;
	vm0 =	vmand vm0, vm1  }
0x88: {  	v59 =	vadd.s32 v58, v15;
	vm12 =	vlt.f32 v13, $1.200000000e+01;
	vm0 =	vmand vm11, vm0  }
0x89: {  	vm13 =	vgt.s32 v59, $0xFFFFFFFF;
	vm0 =	vmand vm12, vm0  }
0x8a: {  	vm14 =	vlt.s32 v59, v2;
	vm2 =	vgt.s32 v59, $0x0;
	vm0 =	vmand vm13, vm0  }
0x8b: {  	v13 =	vnsel vm2, $0x0, v59;
	vm0 =	vmand vm14, vm0  }
0x8c: {  	v13 =	vmin.u32 v13, $0xCCF;
	_ =	sdelay $0x4  }
0x8d: {  	v60 =	vld.idx.msk [tilespmem:v13+s13+$0x0], vm0  }
0x8e: {  	v61 =	vadd.f32 v11, v9;
	v62 =	vadd.f32 v12, v10;
	_ =	sdelay $0x1  }
0x8f: {  	v15 =	vmul.f32 v62, v61;
	_ =	sdelay $0x1  }
0x90: {  	vm15 =	vlt.f32 v15, v60  }
0x91: {  	vm0 =	vmand vm15, vm0;
	_ =	sdelay $0x5  }
0x92: {  	p1 =	sne.s32 s21, $0x4EC0;
	v63 =	vld [tilespmem:s22+$0x40];
	[tilespmem:v13+s13+$0x0] =	vst.idx.msk vm0, v15  }
.Ltmp5:
0x93: {  	[tilespmem:v13+s14+$0x0] =	vst.idx.msk vm0, v9;
	(pc) =	sbr.rel @p1 .LBB2_4-.Ltmp5, $4  }
0x94: {  	[tilespmem:v13+s15+$0x0] =	vst.idx.msk vm0, v10  }
0x95: {  	[tilespmem:v13+s16+$0x0] =	vst.idx.msk vm0, v11  }
0x96: {  	[tilespmem:v13+s17+$0x0] =	vst.idx.msk vm0, v12  }
0x97: {  	s21 =	sadd.s32 $0x140, s21;
	[tilespmem:v13+s18+$0x0] =	vst.idx.msk vm0, v63  }
.LBB2_5:
0x98: {  	s22 =	sld [smem:$0x7FA];
	_ =	sdelay $0x2  }
0x99: {  	p1 =	seq.s32 s22, $0x1  }
.Ltmp6:
0x9a: {  	_ = 	snop;
	(pc) =	sbr.rel @!p1 .LBB2_7-.Ltmp6, $2  }
0x9b: {  	_ =	sdelay $0x2  }
0x9c: {  	s21 =	simm.s32 $0x0  }
.LBB2_6:
0x9d: {  	s22 =	sshra.s32 s21, $0x2  }
0x9e: {  	v9 =	vld [tilespmem:s22+$0x0]  }
0x9f: {  	v10 =	vld [tilespmem:s22+$0x10]  }
0xa0: {  	v11 =	vld [tilespmem:s22+$0x20]  }
0xa1: {  	v12 =	vld [tilespmem:s22+$0x30];
	_ =	sdelay $0x4  }
0xa2: {  	v13 =	vadd.f32 v11, v9;
	v14 =	vadd.f32 v12, v10;
	_ =	sdelay $0x1  }
0xa3: {  	v13 =	vmul.f32 $5.000000000e-01, v13;
	v14 =	vmul.f32 $5.000000000e-01, v14;
	_ =	sdelay $0x1  }
0xa4: {  	v15 =	vmul.f32 $6.250000000e-02, v13;
	v16 =	vmul.f32 $6.250000000e-02, v14;
	_ =	sdelay $0x1  }
0xa5: {  	v15 =	vadd.f32 $-5.000000000e-01, v15;
	v16 =	vadd.f32 $-5.000000000e-01, v16;
	_ =	sdelay $0x1  }
0xa6: {  	v15 =	vtrunc.f32 v15;
	v16 =	vtrunc.f32 v16  }
0xa7: {  	v15 =	vcvt.f32.s32 v15;
	v16 =	vcvt.f32.s32 v16;
	_ =	sdelay $0x1  }
0xa8: {  	v17 =	vadd.s32 v0, v15;
	v16 =	vadd.s32 v8, v16  }
0xa9: {  	v17 =	vcvt.s32.f32 v17;
	v18 =	vcvt.s32.f32 v16;
	_ =	sdelay $0x1  }
0xaa: {  	v17 =	vadd.f32 $5.000000000e-01, v17;
	v18 =	vadd.f32 $5.000000000e-01, v18;
	_ =	sdelay $0x1  }
0xab: {  	v17 =	vmul.f32 $1.600000000e+01, v17;
	v18 =	vmul.f32 $1.600000000e+01, v18;
	_ =	sdelay $0x1  }
0xac: {  	v15 =	vadd.s32 v15, v3;
	v9 =	vsub.f32 v17, v9;
	v10 =	vsub.f32 v18, v10  }
0xad: {  	v58 =	vshll.u32 v16, $0x6;
	v11 =	vsub.f32 v11, v17;
	v12 =	vsub.f32 v12, v18  }
0xae: {  	v13 =	vsub.f32 v17, v13;
	v14 =	vsub.f32 v18, v14;
	v19 =	vmin.f32 v9, v10  }
0xaf: {  	v20 =	vmin.f32 v11, v12;
	v56 =	vmax.f32 v9, v10;
	v21 =	vmax.f32 v11, v12  }
0xb0: {  	v13 =	vand.u32 $0x7FFFFFFF, v13;
	v57 =	vmin.f32 v19, v20;
	v17 =	vmax.f32 v56, v21  }
0xb1: {  	v14 =	vand.u32 $0x7FFFFFFF, v14;
	vm0 =	vgt.f32 v57, $0.0e+00;
	vm1 =	vgt.f32 v17, $6.400000000e+01  }
0xb2: {  	v13 =	vmax.f32 v13, v14;
	vm11 =	vle.f32 v17, $1.280000000e+02;
	vm0 =	vmand vm0, vm1  }
0xb3: {  	v59 =	vadd.s32 v58, v15;
	vm12 =	vlt.f32 v13, $2.400000000e+01;
	vm0 =	vmand vm11, vm0  }
0xb4: {  	vm13 =	vgt.s32 v59, $0xFFFFFFFF;
	vm0 =	vmand vm12, vm0  }
0xb5: {  	vm14 =	vlt.s32 v59, v2;
	vm2 =	vgt.s32 v59, $0x0;
	vm0 =	vmand vm13, vm0  }
0xb6: {  	v13 =	vnsel vm2, $0x0, v59;
	vm0 =	vmand vm14, vm0  }
0xb7: {  	v13 =	vmin.u32 v13, $0xCCF;
	_ =	sdelay $0x4  }
0xb8: {  	v60 =	vld.idx.msk [tilespmem:v13+s13+$0x0], vm0  }
0xb9: {  	v61 =	vadd.f32 v11, v9;
	v62 =	vadd.f32 v12, v10;
	_ =	sdelay $0x1  }
0xba: {  	v15 =	vmul.f32 v62, v61;
	_ =	sdelay $0x1  }
0xbb: {  	vm15 =	vlt.f32 v15, v60  }
0xbc: {  	vm0 =	vmand vm15, vm0;
	_ =	sdelay $0x5  }
0xbd: {  	p1 =	sne.s32 s21, $0x4EC0;
	v63 =	vld [tilespmem:s22+$0x40];
	[tilespmem:v13+s13+$0x0] =	vst.idx.msk vm0, v15  }
.Ltmp7:
0xbe: {  	[tilespmem:v13+s14+$0x0] =	vst.idx.msk vm0, v9;
	(pc) =	sbr.rel @p1 .LBB2_6-.Ltmp7, $4  }
0xbf: {  	[tilespmem:v13+s15+$0x0] =	vst.idx.msk vm0, v10  }
0xc0: {  	[tilespmem:v13+s16+$0x0] =	vst.idx.msk vm0, v11  }
0xc1: {  	[tilespmem:v13+s17+$0x0] =	vst.idx.msk vm0, v12  }
0xc2: {  	s21 =	sadd.s32 $0x140, s21;
	[tilespmem:v13+s18+$0x0] =	vst.idx.msk vm0, v63  }
.LBB2_7:
.Ltmp8:
0xc3: {  	(pc) =	sbr.rel @p3 .LBB2_13-.Ltmp8, $2  }
0xc4: {  	_ =	sdelay $0x2  }
0xc5: {  	s21 =	simm.s32 $0x0  }
.LBB2_8:
0xc6: {  	s22 =	sshra.s32 s21, $0x2  }
0xc7: {  	v9 =	vld [tilespmem:s22+$0x0]  }
0xc8: {  	v10 =	vld [tilespmem:s22+$0x10]  }
0xc9: {  	v11 =	vld [tilespmem:s22+$0x20]  }
0xca: {  	v12 =	vld [tilespmem:s22+$0x30];
	_ =	sdelay $0x4  }
0xcb: {  	v13 =	vadd.f32 v11, v9;
	v14 =	vadd.f32 v12, v10;
	_ =	sdelay $0x1  }
0xcc: {  	v13 =	vmul.f32 $5.000000000e-01, v13;
	v14 =	vmul.f32 $5.000000000e-01, v14;
	_ =	sdelay $0x1  }
0xcd: {  	v15 =	vmul.f32 $3.125000000e-02, v13;
	v16 =	vmul.f32 $3.125000000e-02, v14;
	_ =	sdelay $0x1  }
0xce: {  	v15 =	vadd.f32 $-5.000000000e-01, v15;
	v16 =	vadd.f32 $-5.000000000e-01, v16;
	_ =	sdelay $0x1  }
0xcf: {  	v15 =	vtrunc.f32 v15;
	v16 =	vtrunc.f32 v16  }
0xd0: {  	v15 =	vcvt.f32.s32 v15;
	v16 =	vcvt.f32.s32 v16;
	_ =	sdelay $0x1  }
0xd1: {  	v17 =	vadd.s32 v0, v15;
	v16 =	vadd.s32 v8, v16  }
0xd2: {  	v17 =	vcvt.s32.f32 v17;
	v18 =	vcvt.s32.f32 v16;
	_ =	sdelay $0x1  }
0xd3: {  	v17 =	vadd.f32 $5.000000000e-01, v17;
	v18 =	vadd.f32 $5.000000000e-01, v18;
	_ =	sdelay $0x1  }
0xd4: {  	v17 =	vmul.f32 $3.200000000e+01, v17;
	v18 =	vmul.f32 $3.200000000e+01, v18;
	_ =	sdelay $0x1  }
0xd5: {  	v15 =	vadd.s32 v15, v4;
	v9 =	vsub.f32 v17, v9;
	v10 =	vsub.f32 v18, v10  }
0xd6: {  	v58 =	vshll.u32 v16, $0x5;
	v11 =	vsub.f32 v11, v17;
	v12 =	vsub.f32 v12, v18  }
0xd7: {  	v13 =	vsub.f32 v17, v13;
	v14 =	vsub.f32 v18, v14;
	v19 =	vmin.f32 v9, v10  }
0xd8: {  	v20 =	vmin.f32 v11, v12;
	v56 =	vmax.f32 v9, v10;
	v21 =	vmax.f32 v11, v12  }
0xd9: {  	v13 =	vand.u32 $0x7FFFFFFF, v13;
	v57 =	vmin.f32 v19, v20;
	v17 =	vmax.f32 v56, v21  }
0xda: {  	v14 =	vand.u32 $0x7FFFFFFF, v14;
	vm0 =	vgt.f32 v57, $0.0e+00;
	vm1 =	vgt.f32 v17, $1.280000000e+02  }
0xdb: {  	v13 =	vmax.f32 v13, v14;
	vm11 =	vle.f32 v17, $2.560000000e+02;
	vm0 =	vmand vm0, vm1  }
0xdc: {  	v59 =	vadd.s32 v58, v15;
	vm12 =	vlt.f32 v13, $4.800000000e+01;
	vm0 =	vmand vm11, vm0  }
0xdd: {  	vm13 =	vgt.s32 v59, $0xFFFFFFFF;
	vm0 =	vmand vm12, vm0  }
0xde: {  	vm14 =	vlt.s32 v59, v2;
	vm2 =	vgt.s32 v59, $0x0;
	vm0 =	vmand vm13, vm0  }
0xdf: {  	v13 =	vnsel vm2, $0x0, v59;
	vm0 =	vmand vm14, vm0  }
0xe0: {  	v13 =	vmin.u32 v13, $0xCCF;
	_ =	sdelay $0x4  }
0xe1: {  	v60 =	vld.idx.msk [tilespmem:v13+s13+$0x0], vm0  }
0xe2: {  	v61 =	vadd.f32 v11, v9;
	v62 =	vadd.f32 v12, v10;
	_ =	sdelay $0x1  }
0xe3: {  	v15 =	vmul.f32 v62, v61;
	_ =	sdelay $0x1  }
0xe4: {  	vm15 =	vlt.f32 v15, v60  }
0xe5: {  	vm0 =	vmand vm15, vm0;
	_ =	sdelay $0x5  }
0xe6: {  	p1 =	sne.s32 s21, $0x4EC0;
	v63 =	vld [tilespmem:s22+$0x40];
	[tilespmem:v13+s13+$0x0] =	vst.idx.msk vm0, v15  }
.Ltmp9:
0xe7: {  	[tilespmem:v13+s14+$0x0] =	vst.idx.msk vm0, v9;
	(pc) =	sbr.rel @p1 .LBB2_8-.Ltmp9, $4  }
0xe8: {  	[tilespmem:v13+s15+$0x0] =	vst.idx.msk vm0, v10  }
0xe9: {  	[tilespmem:v13+s16+$0x0] =	vst.idx.msk vm0, v11  }
0xea: {  	[tilespmem:v13+s17+$0x0] =	vst.idx.msk vm0, v12  }
0xeb: {  	s21 =	sadd.s32 $0x140, s21;
	[tilespmem:v13+s18+$0x0] =	vst.idx.msk vm0, v63  }
0xec: {  	s22 =	sld [smem:$0x7FC];
	_ =	sdelay $0x2  }
0xed: {  	p1 =	seq.s32 s22, $0x1  }
.Ltmp10:
0xee: {  	_ = 	snop;
	(pc) =	sbr.rel @p1 .LBB2_13-.Ltmp10, $2  }
0xef: {  	_ =	sdelay $0x2  }
0xf0: {  	s21 =	simm.s32 $0x0  }
.LBB2_10:
0xf1: {  	s22 =	sshra.s32 s21, $0x2  }
0xf2: {  	v9 =	vld [tilespmem:s22+$0x0]  }
0xf3: {  	v10 =	vld [tilespmem:s22+$0x10]  }
0xf4: {  	v11 =	vld [tilespmem:s22+$0x20]  }
0xf5: {  	v12 =	vld [tilespmem:s22+$0x30];
	_ =	sdelay $0x4  }
0xf6: {  	v13 =	vadd.f32 v11, v9;
	v14 =	vadd.f32 v12, v10;
	_ =	sdelay $0x1  }
0xf7: {  	v13 =	vmul.f32 $5.000000000e-01, v13;
	v14 =	vmul.f32 $5.000000000e-01, v14;
	_ =	sdelay $0x1  }
0xf8: {  	v15 =	vmul.f32 $1.562500000e-02, v13;
	v16 =	vmul.f32 $1.562500000e-02, v14;
	_ =	sdelay $0x1  }
0xf9: {  	v15 =	vadd.f32 $-5.000000000e-01, v15;
	v16 =	vadd.f32 $-5.000000000e-01, v16;
	_ =	sdelay $0x1  }
0xfa: {  	v15 =	vtrunc.f32 v15;
	v16 =	vtrunc.f32 v16  }
0xfb: {  	v15 =	vcvt.f32.s32 v15;
	v16 =	vcvt.f32.s32 v16;
	_ =	sdelay $0x1  }
0xfc: {  	v17 =	vadd.s32 v0, v15;
	v16 =	vadd.s32 v8, v16  }
0xfd: {  	v17 =	vcvt.s32.f32 v17;
	v18 =	vcvt.s32.f32 v16;
	_ =	sdelay $0x1  }
0xfe: {  	v17 =	vadd.f32 $5.000000000e-01, v17;
	v18 =	vadd.f32 $5.000000000e-01, v18;
	_ =	sdelay $0x1  }
0xff: {  	v17 =	vmul.f32 $6.400000000e+01, v17;
	v18 =	vmul.f32 $6.400000000e+01, v18;
	_ =	sdelay $0x1  }
0x100: {  	v15 =	vadd.s32 v15, v5;
	v9 =	vsub.f32 v17, v9;
	v10 =	vsub.f32 v18, v10  }
0x101: {  	v58 =	vshll.u32 v16, $0x4;
	v11 =	vsub.f32 v11, v17;
	v12 =	vsub.f32 v12, v18  }
0x102: {  	v13 =	vsub.f32 v17, v13;
	v14 =	vsub.f32 v18, v14;
	v19 =	vmin.f32 v9, v10  }
0x103: {  	v20 =	vmin.f32 v11, v12;
	v56 =	vmax.f32 v9, v10;
	v21 =	vmax.f32 v11, v12  }
0x104: {  	v13 =	vand.u32 $0x7FFFFFFF, v13;
	v57 =	vmin.f32 v19, v20;
	v17 =	vmax.f32 v56, v21  }
0x105: {  	v14 =	vand.u32 $0x7FFFFFFF, v14;
	vm0 =	vgt.f32 v57, $0.0e+00;
	vm1 =	vgt.f32 v17, $2.560000000e+02  }
0x106: {  	v13 =	vmax.f32 v13, v14;
	vm11 =	vle.f32 v17, $5.120000000e+02;
	vm0 =	vmand vm0, vm1  }
0x107: {  	v59 =	vadd.s32 v58, v15;
	vm12 =	vlt.f32 v13, $9.600000000e+01;
	vm0 =	vmand vm11, vm0  }
0x108: {  	vm13 =	vgt.s32 v59, $0xFFFFFFFF;
	vm0 =	vmand vm12, vm0  }
0x109: {  	vm14 =	vlt.s32 v59, v2;
	vm2 =	vgt.s32 v59, $0x0;
	vm0 =	vmand vm13, vm0  }
0x10a: {  	v13 =	vnsel vm2, $0x0, v59;
	vm0 =	vmand vm14, vm0  }
0x10b: {  	v13 =	vmin.u32 v13, $0xCCF;
	_ =	sdelay $0x4  }
0x10c: {  	v60 =	vld.idx.msk [tilespmem:v13+s13+$0x0], vm0  }
0x10d: {  	v61 =	vadd.f32 v11, v9;
	v62 =	vadd.f32 v12, v10;
	_ =	sdelay $0x1  }
0x10e: {  	v15 =	vmul.f32 v62, v61;
	_ =	sdelay $0x1  }
0x10f: {  	vm15 =	vlt.f32 v15, v60  }
0x110: {  	vm0 =	vmand vm15, vm0;
	_ =	sdelay $0x5  }
0x111: {  	p1 =	sne.s32 s21, $0x4EC0;
	v63 =	vld [tilespmem:s22+$0x40];
	[tilespmem:v13+s13+$0x0] =	vst.idx.msk vm0, v15  }
.Ltmp11:
0x112: {  	[tilespmem:v13+s14+$0x0] =	vst.idx.msk vm0, v9;
	(pc) =	sbr.rel @p1 .LBB2_10-.Ltmp11, $4  }
0x113: {  	[tilespmem:v13+s15+$0x0] =	vst.idx.msk vm0, v10  }
0x114: {  	[tilespmem:v13+s16+$0x0] =	vst.idx.msk vm0, v11  }
0x115: {  	[tilespmem:v13+s17+$0x0] =	vst.idx.msk vm0, v12  }
0x116: {  	s21 =	sadd.s32 $0x140, s21;
	[tilespmem:v13+s18+$0x0] =	vst.idx.msk vm0, v63  }
0x117: {  	s22 =	sld [smem:$0x7FD];
	_ =	sdelay $0x2  }
0x118: {  	p1 =	seq.s32 s22, $0x1  }
.Ltmp12:
0x119: {  	_ = 	snop;
	(pc) =	sbr.rel @p1 .LBB2_13-.Ltmp12, $2  }
0x11a: {  	_ =	sdelay $0x2  }
0x11b: {  	s21 =	simm.s32 $0x0  }
.LBB2_12:
0x11c: {  	s22 =	sshra.s32 s21, $0x2  }
0x11d: {  	v9 =	vld [tilespmem:s22+$0x0]  }
0x11e: {  	v10 =	vld [tilespmem:s22+$0x10]  }
0x11f: {  	v11 =	vld [tilespmem:s22+$0x20]  }
0x120: {  	v12 =	vld [tilespmem:s22+$0x30];
	_ =	sdelay $0x4  }
0x121: {  	v13 =	vadd.f32 v11, v9;
	v14 =	vadd.f32 v12, v10;
	_ =	sdelay $0x1  }
0x122: {  	v13 =	vmul.f32 $5.000000000e-01, v13;
	v14 =	vmul.f32 $5.000000000e-01, v14;
	_ =	sdelay $0x1  }
0x123: {  	v15 =	vmul.f32 $7.812500000e-03, v13;
	v16 =	vmul.f32 $7.812500000e-03, v14;
	_ =	sdelay $0x1  }
0x124: {  	v15 =	vadd.f32 $-5.000000000e-01, v15;
	v16 =	vadd.f32 $-5.000000000e-01, v16;
	_ =	sdelay $0x1  }
0x125: {  	v15 =	vtrunc.f32 v15;
	v16 =	vtrunc.f32 v16  }
0x126: {  	v15 =	vcvt.f32.s32 v15;
	v16 =	vcvt.f32.s32 v16;
	_ =	sdelay $0x1  }
0x127: {  	v17 =	vadd.s32 v0, v15;
	v16 =	vadd.s32 v8, v16  }
0x128: {  	v17 =	vcvt.s32.f32 v17;
	v18 =	vcvt.s32.f32 v16;
	_ =	sdelay $0x1  }
0x129: {  	v17 =	vadd.f32 $5.000000000e-01, v17;
	v18 =	vadd.f32 $5.000000000e-01, v18;
	_ =	sdelay $0x1  }
0x12a: {  	v17 =	vmul.f32 $1.280000000e+02, v17;
	v18 =	vmul.f32 $1.280000000e+02, v18;
	_ =	sdelay $0x1  }
0x12b: {  	v15 =	vadd.s32 v15, v6;
	v9 =	vsub.f32 v17, v9;
	v10 =	vsub.f32 v18, v10  }
0x12c: {  	v58 =	vshll.u32 v16, $0x3;
	v11 =	vsub.f32 v11, v17;
	v12 =	vsub.f32 v12, v18  }
0x12d: {  	v13 =	vsub.f32 v17, v13;
	v14 =	vsub.f32 v18, v14;
	v19 =	vmin.f32 v9, v10  }
0x12e: {  	v20 =	vmin.f32 v11, v12;
	v56 =	vmax.f32 v9, v10;
	v21 =	vmax.f32 v11, v12  }
0x12f: {  	v13 =	vand.u32 $0x7FFFFFFF, v13;
	v57 =	vmin.f32 v19, v20;
	v17 =	vmax.f32 v56, v21  }
0x130: {  	v14 =	vand.u32 $0x7FFFFFFF, v14;
	vm0 =	vgt.f32 v57, $0.0e+00;
	vm1 =	vgt.f32 v17, $5.120000000e+02  }
0x131: {  	v13 =	vmax.f32 v13, v14;
	vm11 =	vle.f32 v17, $9.999990000e+05;
	vm0 =	vmand vm0, vm1  }
0x132: {  	v59 =	vadd.s32 v58, v15;
	vm12 =	vlt.f32 v13, $1.920000000e+02;
	vm0 =	vmand vm11, vm0  }
0x133: {  	vm13 =	vgt.s32 v59, $0xFFFFFFFF;
	vm0 =	vmand vm12, vm0  }
0x134: {  	vm14 =	vlt.s32 v59, v2;
	vm2 =	vgt.s32 v59, $0x0;
	vm0 =	vmand vm13, vm0  }
0x135: {  	v13 =	vnsel vm2, $0x0, v59;
	vm0 =	vmand vm14, vm0  }
0x136: {  	v13 =	vmin.u32 v13, $0xCCF;
	_ =	sdelay $0x4  }
0x137: {  	v60 =	vld.idx.msk [tilespmem:v13+s13+$0x0], vm0  }
0x138: {  	v61 =	vadd.f32 v11, v9;
	v62 =	vadd.f32 v12, v10;
	_ =	sdelay $0x1  }
0x139: {  	v15 =	vmul.f32 v62, v61;
	_ =	sdelay $0x1  }
0x13a: {  	vm15 =	vlt.f32 v15, v60  }
0x13b: {  	vm0 =	vmand vm15, vm0;
	_ =	sdelay $0x5  }
0x13c: {  	p1 =	sne.s32 s21, $0x4EC0;
	v63 =	vld [tilespmem:s22+$0x40];
	[tilespmem:v13+s13+$0x0] =	vst.idx.msk vm0, v15  }
.Ltmp13:
0x13d: {  	[tilespmem:v13+s14+$0x0] =	vst.idx.msk vm0, v9;
	(pc) =	sbr.rel @p1 .LBB2_12-.Ltmp13, $4  }
0x13e: {  	[tilespmem:v13+s15+$0x0] =	vst.idx.msk vm0, v10  }
0x13f: {  	[tilespmem:v13+s16+$0x0] =	vst.idx.msk vm0, v11  }
0x140: {  	[tilespmem:v13+s17+$0x0] =	vst.idx.msk vm0, v12  }
0x141: {  	s21 =	sadd.s32 $0x140, s21;
	[tilespmem:v13+s18+$0x0] =	vst.idx.msk vm0, v63  }
.LBB2_13:
0x142: {  	s21 =	simm.s32 $0x3B00  }
0x143: {  	s23 =	simm.s32 $0x5500;
	v9 =	vld [tilespmem:s21+$0x0]  }
0x144: {  	s26 =	simm.s32 $0x4800;
	v10 =	vld [tilespmem:s23+$0x0]  }
0x145: {  	s22 =	simm.s32 $0x2E00;
	v11 =	vld [tilespmem:s26+$0x0]  }
0x146: {  	v12 =	vld [tilespmem:s22+$0x0];
	_ =	sdelay $0x4  }
0x147: {  	v13 =	vmax.f32 v9, v10;
	v14 =	vmax.f32 v12, v11  }
0x148: {  	v13 =	vmul.f32 v13, v14;
	_ =	sdelay $0x1  }
0x149: {  	v13 =	vadd.f32 $1.000000010e-10, v13;
	_ =	sdelay $0x1  }
0x14a: {  	(erf) = vrcp.f32 v13;
	_ =	sdelay $0x4  }
0x14b: {  	s24 =	simm.s32 $0x1400  }
0x14c: {  	v57 =	vld [tilespmem:s24+$0x0]  }
0x14d: {  	v58 =	vmin.f32 v9, v10;
	v15 =	vmin.f32 v12, v11  }
0x14e: {  	v14 =	vmul.f32 v58, v15  }
0x14f: {  	v59 =	vpop (erf)  }
0x150: {  	v14 =	vmul.f32 v59, v14  }
0x151: {  	vm0 =	vlt.f32 v57, $9.000000000e+07  }
0x152: {  	v13 =	vnsel vm0, $0x3F800000, v14  }
0x153: {  	v14 =	vshra.s32 v13, $0x1  }
0x154: {  	v14 =	vadd.s32 $0x1FBD1DF5, v14  }
0x155: {  	(erf) = vrcp.f32 v14;
	_ =	sdelay $0x8  }
0x156: {  	v60 =	vpop (erf)  }
0x157: {  	v15 =	vmul.f32 v60, v13;
	_ =	sdelay $0x1  }
0x158: {  	v14 =	vadd.f32 v14, v15;
	_ =	sdelay $0x1  }
0x159: {  	v14 =	vmul.f32 $5.000000000e-01, v14;
	_ =	sdelay $0x1  }
0x15a: {  	(erf) = vrcp.f32 v14;
	_ =	sdelay $0x8  }
0x15b: {  	v61 =	vpop (erf)  }
0x15c: {  	v13 =	vmul.f32 v61, v13  }
0x15d: {  	s25 =	simm.s32 $0x2100  }
0x15e: {  	v62 =	vld [tilespmem:s25+$0x0];
	v13 =	vadd.f32 v13, v14;
	_ =	sdelay $0x1  }
0x15f: {  	v13 =	vmul.f32 $5.000000000e-01, v13;
	_ =	sdelay $0x1  }
0x160: {  	v13 =	vnsel vm0, $0xBF800000, v13  }
.Ltmp14:
0x161: {  	v63 =	vnsel vm0, $0x0, v62;
	[tilespmem:s24+$0x0] =	vst v13;
	(pc) =	sbr.rel @!p0 .LBB2_15-.Ltmp14, $4  }
0x162: {  	v12 =	vnsel vm0, $0xBF800000, v12;
	[tilespmem:s25+$0x0] =	vst v63  }
0x163: {  	v9 =	vnsel vm0, $0xBF800000, v9;
	[tilespmem:s22+$0x0] =	vst v12  }
0x164: {  	s28 =	simm.s32 $0x5510;
	v11 =	vnsel vm0, $0xBF800000, v11;
	[tilespmem:s21+$0x0] =	vst v9  }
0x165: {  	s29 =	simm.s32 $0x2110;
	s25 =	sadd.s32 $0xFFFFFFFF, s3;
	v9 =	vnsel vm0, $0xBF800000, v10;
	[tilespmem:s26+$0x0] =	vst v11;
	s26 =	simm.s32 $0x4810  }
.LBB2_14:
0x166: {  	[tilespmem:s23+$0x0] =	vst v9;
	s24 =	sadd.s32 $0x10, s24;
	s22 =	sadd.s32 $0x10, s22;
	s21 =	sadd.s32 $0x10, s21  }
0x167: {  	p0 =	sne.s32 s25, $0x1;
	s25 =	sadd.s32 $0xFFFFFFFF, s25;
	s23 =	smov.u32 s28;
	v9 =	vld [tilespmem:s21+$0x0]  }
0x168: {  	v10 =	vld [tilespmem:s28+$0x0]  }
0x169: {  	v11 =	vld [tilespmem:s26+$0x0]  }
0x16a: {  	v12 =	vld [tilespmem:s22+$0x0];
	_ =	sdelay $0x2  }
0x16b: {  	v13 =	vmin.f32 v9, v10;
	v14 =	vmax.f32 v9, v10;
	_ =	sdelay $0x1  }
0x16c: {  	v15 =	vmin.f32 v12, v11;
	v16 =	vmax.f32 v12, v11  }
0x16d: {  	v14 =	vmul.f32 v14, v16;
	_ =	sdelay $0x1  }
0x16e: {  	v14 =	vadd.f32 $1.000000010e-10, v14;
	_ =	sdelay $0x1  }
0x16f: {  	(erf) = vrcp.f32 v14;
	_ =	sdelay $0x5  }
0x170: {  	v14 =	vld [tilespmem:s24+$0x0];
	_ =	sdelay $0x1  }
0x171: {  	v13 =	vmul.f32 v13, v15  }
0x172: {  	v15 =	vpop (erf)  }
0x173: {  	v13 =	vmul.f32 v15, v13  }
0x174: {  	vm0 =	vlt.f32 v14, $9.000000000e+07  }
0x175: {  	v13 =	vnsel vm0, $0x3F800000, v13;
	v12 =	vnsel vm0, $0xBF800000, v12;
	v14 =	vnsel vm0, $0xBF800000, v9  }
0x176: {  	v11 =	vnsel vm0, $0xBF800000, v11;
	v9 =	vnsel vm0, $0xBF800000, v10;
	v15 =	vshra.s32 v13, $0x1  }
0x177: {  	v10 =	vadd.s32 $0x1FBD1DF5, v15  }
0x178: {  	(erf) = vrcp.f32 v10;
	_ =	sdelay $0x8  }
0x179: {  	v15 =	vpop (erf)  }
0x17a: {  	v15 =	vmul.f32 v15, v13;
	_ =	sdelay $0x1  }
0x17b: {  	v10 =	vadd.f32 v10, v15;
	_ =	sdelay $0x1  }
0x17c: {  	v10 =	vmul.f32 $5.000000000e-01, v10;
	_ =	sdelay $0x1  }
0x17d: {  	(erf) = vrcp.f32 v10;
	_ =	sdelay $0x8  }
0x17e: {  	v15 =	vpop (erf)  }
0x17f: {  	v13 =	vmul.f32 v15, v13;
	_ =	sdelay $0x1  }
0x180: {  	v15 =	vld [tilespmem:s29+$0x0];
	v10 =	vadd.f32 v13, v10;
	_ =	sdelay $0x1  }
0x181: {  	v10 =	vmul.f32 $5.000000000e-01, v10;
	_ =	sdelay $0x1  }
0x182: {  	v10 =	vnsel vm0, $0xBF800000, v10  }
.Ltmp15:
0x183: {  	[tilespmem:s24+$0x0] =	vst v10;
	v10 =	vnsel vm0, $0x0, v15;
	(pc) =	sbr.rel @p0 .LBB2_14-.Ltmp15, $4  }
0x184: {  	[tilespmem:s29+$0x0] =	vst v10  }
0x185: {  	[tilespmem:s22+$0x0] =	vst v12  }
0x186: {  	[tilespmem:s21+$0x0] =	vst v14  }
0x187: {  	s28 =	sadd.s32 $0x10, s28;
	s29 =	sadd.s32 $0x10, s29;
	[tilespmem:s26+$0x0] =	vst v11;
	s26 =	sadd.s32 $0x10, s26  }
.LBB2_15:
0x188: {  	[tilespmem:s23+$0x0] =	vst v9;
	s21 =	simm.s32 @!p5 $0x0;
	s22 =	simm.s32 @!p5 $0x2100  }
0x189: {  	[hbm4b:s5+s21] =	stream.linear.scatter @!p5 [tilespmem:s22], [sflag:$0x1], $0xCD0, $0x38;
	[tilespmem:$0x6200] =	vst v63  }
0x18a: {  	s22 =	simm.s32 @!p5 $0x1400  }
0x18b: {  	[hbm4b:s6+s21] =	stream.linear.scatter @!p5 [tilespmem:s22], [sflag:$0x1], $0xCD0, $0x38;
	[tilespmem:$0x6200] =	vst v63  }
0x18c: {  	s22 =	simm.s32 @!p5 $0x2E00  }
0x18d: {  	[hbm4b:s7+s21] =	stream.linear.scatter @!p5 [tilespmem:s22], [sflag:$0x1], $0xCD0, $0x38;
	[tilespmem:$0x6200] =	vst v63  }
0x18e: {  	s22 =	simm.s32 @!p5 $0x3B00  }
0x18f: {  	[hbm4b:s8+s21] =	stream.linear.scatter @!p5 [tilespmem:s22], [sflag:$0x1], $0xCD0, $0x38;
	[tilespmem:$0x6200] =	vst v63  }
0x190: {  	s22 =	simm.s32 @!p5 $0x4800  }
0x191: {  	[hbm4b:s9+s21] =	stream.linear.scatter @!p5 [tilespmem:s22], [sflag:$0x1], $0xCD0, $0x38;
	[tilespmem:$0x6200] =	vst v63  }
0x192: {  	s22 =	simm.s32 @!p5 $0x5500  }
0x193: {  	[hbm4b:s10+s21] =	stream.linear.scatter @!p5 [tilespmem:s22], [sflag:$0x1], $0xCD0, $0x38;
	[tilespmem:$0x6200] =	vst v63  }
0x194: {  	s21 =	simm.s32 @!p5 $0x1  }
0x195: {  	_ =	swait.ge @!p5 [sflag:s21], $0xCD0  }
0x196: {  	[sflag:s21] =	ssyncset.done @!p5 $0x0  }
0x197: {  	[sflag:s21] =	ssyncadd.s32 @!p5 $0xFFFFF330  }
0x198: {  	_ =	swait.ge @!p5 [sflag:s21], $0xCD0  }
0x199: {  	[sflag:s21] =	ssyncset.done @!p5 $0x0  }
0x19a: {  	[sflag:s21] =	ssyncadd.s32 @!p5 $0xFFFFF330  }
0x19b: {  	_ =	swait.ge @!p5 [sflag:s21], $0xCD0  }
0x19c: {  	[sflag:s21] =	ssyncset.done @!p5 $0x0  }
0x19d: {  	[sflag:s21] =	ssyncadd.s32 @!p5 $0xFFFFF330  }
0x19e: {  	_ =	swait.ge @!p5 [sflag:s21], $0xCD0  }
0x19f: {  	[sflag:s21] =	ssyncset.done @!p5 $0x0  }
0x1a0: {  	[sflag:s21] =	ssyncadd.s32 @!p5 $0xFFFFF330  }
0x1a1: {  	_ =	swait.ge @!p5 [sflag:s21], $0xCD0  }
.Ltmp16:
0x1a2: {  	[sflag:s21] =	ssyncset.done @!p5 $0x0;
	(pc) =	sbr.rel @p4 .LBB2_17-.Ltmp16, $4  }
0x1a3: {  	[sflag:s21] =	ssyncadd.s32 @!p5 $0xFFFFF330  }
0x1a4: {  	_ =	swait.ge @!p5 [sflag:s21], $0xCD0  }
0x1a5: {  	[sflag:s21] =	ssyncset.done @!p5 $0x0  }
0x1a6: {  	[sflag:s21] =	ssyncadd.s32 @!p5 $0xFFFFF330  }
0x1a7: {  	[hbm4b:s5+s2] =	stream.linear.scatter [tilespmem:s18], [sflag:$0x1], $0xCC0, $0x38;
	[tilespmem:$0x6200] =	vst v63  }
0x1a8: {  	_ = 	snop  }
0x1a9: {  	[hbm4b:s6+s2] =	stream.linear.scatter [tilespmem:s13], [sflag:$0x1], $0xCC0, $0x38;
	[tilespmem:$0x6200] =	vst v63  }
0x1aa: {  	_ = 	snop  }
0x1ab: {  	[hbm4b:s7+s2] =	stream.linear.scatter [tilespmem:s14], [sflag:$0x1], $0xCC0, $0x38;
	[tilespmem:$0x6200] =	vst v63  }
0x1ac: {  	_ = 	snop  }
0x1ad: {  	[hbm4b:s8+s2] =	stream.linear.scatter [tilespmem:s15], [sflag:$0x1], $0xCC0, $0x38;
	[tilespmem:$0x6200] =	vst v63  }
0x1ae: {  	_ = 	snop  }
0x1af: {  	[hbm4b:s9+s2] =	stream.linear.scatter [tilespmem:s16], [sflag:$0x1], $0xCC0, $0x38;
	[tilespmem:$0x6200] =	vst v63  }
0x1b0: {  	_ = 	snop  }
0x1b1: {  	[hbm4b:s10+s2] =	stream.linear.scatter [tilespmem:s17], [sflag:$0x1], $0xCC0, $0x38;
	[tilespmem:$0x6200] =	vst v63  }
0x1b2: {  	_ =	swait.ge [sflag:s19], $0xCC0  }
0x1b3: {  	[sflag:s19] =	ssyncset.done $0x0  }
0x1b4: {  	[sflag:s19] =	ssyncadd.s32 $0xFFFFF340  }
0x1b5: {  	_ =	swait.ge [sflag:s19], $0xCC0  }
0x1b6: {  	[sflag:s19] =	ssyncset.done $0x0  }
0x1b7: {  	[sflag:s19] =	ssyncadd.s32 $0xFFFFF340  }
0x1b8: {  	_ =	swait.ge [sflag:s19], $0xCC0  }
0x1b9: {  	[sflag:s19] =	ssyncset.done $0x0  }
0x1ba: {  	[sflag:s19] =	ssyncadd.s32 $0xFFFFF340  }
0x1bb: {  	_ =	swait.ge [sflag:s19], $0xCC0  }
0x1bc: {  	[sflag:s19] =	ssyncset.done $0x0  }
0x1bd: {  	[sflag:s19] =	ssyncadd.s32 $0xFFFFF340  }
0x1be: {  	_ =	swait.ge [sflag:s19], $0xCC0  }
.Ltmp17:
0x1bf: {  	[sflag:s19] =	ssyncset.done $0x0;
	(pc) =	sbr.rel .LBB2_18-.Ltmp17, $4  }
0x1c0: {  	[sflag:s19] =	ssyncadd.s32 $0xFFFFF340  }
0x1c1: {  	_ =	swait.ge [sflag:s19], $0xCC0  }
0x1c2: {  	[sflag:s19] =	ssyncset.done $0x0  }
0x1c3: {  	[sflag:s19] =	ssyncadd.s32 $0xFFFFF340  }
.LBB2_19:
0x1c4: {  	_ =	sfence.sel $0x180000  }
0x1c5: {  	[bflag:$0x0] =	sbarrier.arrive $0xFFFF  }
0x1c6: {  	p0 =	sne.s32 s0, $0x0;
	_ =	strace $0x90000047  }
0x1c7: {  	s0 =	sadd.s32 @!p0 $0x100000, s1;
	[bflag:$0x2] =	sbarrier.arrive $0xFFFF  }
0x1c8: {  	[sflag:s0] =	ssyncadd.tile.s32 @!p0 $0x1;
	_ =	shalt  }
.Lfunc_end2:
_tile_overlayer_lowered:
.L_overlay_start_2:
0x1c9: {  	(tag) =	ssettag $0x2  }
0x1ca: {  	s0 =	rddreg [dreg:$0x0];
	s2 =	stileid.u32  }
0x1cb: {  	s1 =	rddreg [dreg:$0x1];
	p0 =	sne.s32 s2, $0x0  }
0x1cc: {  	s3 =	rddreg [dreg:$0x2];
	[bflag:$0x3] =	sbarrier.arrive $0xFFFF;
	s2 =	simm.s32 @!p0 $0x1C02  }
0x1cd: {  	[timem:s3], [sflag:s2] =	dma.local @!p0 [hbm:s0], s1  }
0x1ce: {  	s0 =	simm.s32 @!p0 $0x2  }
0x1cf: {  	_ =	swait.ge @!p0 [sflag:s0], s1  }
0x1d0: {  	s1 =	ssub.s32 @!p0 $0x0, s1;
	[sflag:s0] =	ssyncset.done @!p0 $0x0  }
0x1d1: {  	[sflag:s0] =	ssyncadd.s32 @!p0 s1  }
0x1d2: {  	[bflag:$0x3] =	sbarrier.arrive $0xFFFF  }
0x1d3: {  	_ =	shalt  }

</sc_bundles>
